<compile_context>
chip_gen: v7x
topology: tpu7x:2x2x1
jax: 0.10.2.dev20260603
libtpu: 0.0.44.dev20260713+nightly
codegen_flags: <defaults>
</compile_context>

<pallas_src>
import functools

import jax
import jax.numpy as jnp
from jax import lax
from jax.experimental import pallas as pl
from jax.experimental.pallas import tpu as pltpu
from jax.experimental.pallas import tpu_sc as plsc

_D = 64
_B = 16384
_NC = 2
_NS = 16
_L = 16
_NW = _NC * _NS
_BPW = _B // _NW


def _sc_glove(left_hbm, right_hbm, lemb_hbm, lbias_hbm, remb_hbm, rbias_hbm,
              out_hbm, idx_l, idx_r, lrows, rrows, lb, rb, tbuf, outv, sem):
    wid = lax.axis_index("s") * _NC + lax.axis_index("c")
    base = wid * _BPW

    pltpu.sync_copy(left_hbm.at[pl.ds(base, _BPW)], idx_l)
    pltpu.sync_copy(right_hbm.at[pl.ds(base, _BPW)], idx_r)

    c1 = pltpu.async_copy(lemb_hbm.at[idx_l], lrows, sem)
    c2 = pltpu.async_copy(remb_hbm.at[idx_r], rrows, sem)
    c3 = pltpu.async_copy(lbias_hbm.at[idx_l], lb, sem)
    c4 = pltpu.async_copy(rbias_hbm.at[idx_r], rb, sem)
    c1.wait()
    c2.wait()
    c3.wait()
    c4.wait()

    iota = lax.iota(jnp.int32, _L)
    col0 = iota * _L

    def group(g, carry):
        eb = g * _L
        for j in range(_L):
            e = eb + j
            p = lrows[e, pl.ds(0, _L)] * rrows[e, pl.ds(0, _L)]
            for k in range(1, _D // _L):
                p = p + lrows[e, pl.ds(k * _L, _L)] * rrows[e, pl.ds(k * _L, _L)]
            tbuf[pl.ds(j * _L, _L)] = p
        acc = plsc.load_gather(tbuf, [col0])
        for t in range(1, _L):
            acc = acc + plsc.load_gather(tbuf, [col0 + t])
        outv[pl.ds(eb, _L)] = acc + lb[pl.ds(eb, _L)] + rb[pl.ds(eb, _L)]
        return carry

    lax.fori_loop(0, _BPW // _L, group, 0)
    pltpu.sync_copy(outv, out_hbm.at[pl.ds(base, _BPW)])


@functools.cache
def _build():
    mesh = plsc.VectorSubcoreMesh(core_axis_name="c", subcore_axis_name="s")
    return pl.kernel(
        _sc_glove,
        mesh=mesh,
        compiler_params=pltpu.CompilerParams(
            needs_layout_passes=False, use_tc_tiling_on_sc=False),
        out_type=jax.ShapeDtypeStruct((_B,), jnp.float32),
        scratch_types=[
            pltpu.VMEM((_BPW,), jnp.int32),
            pltpu.VMEM((_BPW,), jnp.int32),
            pltpu.VMEM((_BPW, _D), jnp.float32),
            pltpu.VMEM((_BPW, _D), jnp.float32),
            pltpu.VMEM((_BPW,), jnp.float32),
            pltpu.VMEM((_BPW,), jnp.float32),
            pltpu.VMEM((_L * _L,), jnp.float32),
            pltpu.VMEM((_BPW,), jnp.float32),
            pltpu.SemaphoreType.DMA,
        ],
    )


def kernel(left, right, l_emb, l_bias, r_emb, r_bias):
    return _build()(left.astype(jnp.int32), right.astype(jnp.int32),
                    l_emb, l_bias.reshape(-1), r_emb, r_bias.reshape(-1))

# --- scband reference (transcript-rebuilt; emitter-appended) ---
"""Pipeline reference for scband-glove-609885356353 (READ-ONLY COPY).

The authoritative reference and input builder live on the scoring server;
editing this copy changes nothing except your own understanding.
"""

import jax, jax.numpy as jnp
import numpy as np

VOCAB = 1000000
D_EMBED = 64
BATCH = 16384


def setup_inputs(seed: int = 0) -> dict:
    key = jax.random.key(seed)
    k1, k2, k3, k4, k5, k6 = jax.random.split(key, 6)
    left = jax.random.randint(k1, (BATCH,), 0, VOCAB, dtype=jnp.int64) if jax.config.jax_enable_x64 else jax.random.randint(k1, (BATCH,), 0, VOCAB)
    right = jax.random.randint(k2, (BATCH,), 0, VOCAB)
    l_emb = (jax.random.normal(k3, (VOCAB, D_EMBED), dtype=jnp.float32) * 0.02).at[0].set(0.0)
    l_bias = (jax.random.normal(k4, (VOCAB, 1), dtype=jnp.float32) * 0.02).at[0].set(0.0)
    r_emb = (jax.random.normal(k5, (VOCAB, D_EMBED), dtype=jnp.float32) * 0.02).at[0].set(0.0)
    r_bias = (jax.random.normal(k6, (VOCAB, 1), dtype=jnp.float32) * 0.02).at[0].set(0.0)
    return {"left": left, "right": right, "l_emb": l_emb, "l_bias": l_bias, "r_emb": r_emb, "r_bias": r_bias}


def reference(left, right, l_emb, l_bias, r_emb, r_bias):
    # nn.Embedding lookups -> gathers
    l_v = jnp.take(l_emb, left, axis=0)   # [B, D]
    l_b = jnp.take(l_bias, left, axis=0)  # [B, 1]
    r_v = jnp.take(r_emb, right, axis=0)  # [B, D]
    r_b = jnp.take(r_bias, right, axis=0)  # [B, 1]
    # 1D index path: len(l_v.shape) == 2, so no ngram combine
    return (l_v * r_v).sum(axis=-1) + jnp.squeeze(l_b) + jnp.squeeze(r_b)

if __name__ == "__main__":
    import jax
    _d = setup_inputs()
    print(jax.jit(kernel)(*tuple(_d.values())))

</pallas_src>

<mosaic_0001>
#map = affine_map<(d0, d1) -> (0)>
#map1 = affine_map<(d0, d1) -> (0, 0)>
module attributes {stable_mosaic.version = 14 : i64} {
  func.func @_sc_glove(%arg0: i32, %arg1: i32, %arg2: memref<16384xi32, #tpu.memory_space<hbm>>, %arg3: memref<16384xi32, #tpu.memory_space<hbm>>, %arg4: memref<1000000x64xf32, #tpu.memory_space<hbm>>, %arg5: memref<1000000xf32, #tpu.memory_space<hbm>>, %arg6: memref<1000000x64xf32, #tpu.memory_space<hbm>>, %arg7: memref<1000000xf32, #tpu.memory_space<hbm>>, %arg8: memref<16384xf32, #tpu.memory_space<hbm>>, %arg9: memref<512xi32, #tpu.memory_space<vmem>>, %arg10: memref<512xi32, #tpu.memory_space<vmem>>, %arg11: memref<512x64xf32, #tpu.memory_space<vmem>>, %arg12: memref<512x64xf32, #tpu.memory_space<vmem>>, %arg13: memref<512xf32, #tpu.memory_space<vmem>>, %arg14: memref<512xf32, #tpu.memory_space<vmem>>, %arg15: memref<256xf32, #tpu.memory_space<vmem>>, %arg16: memref<512xf32, #tpu.memory_space<vmem>>, %arg17: memref<!tpu.dma_semaphore, #tpu.memory_space<semaphore_mem>>) attributes {dimension_semantics = [#tpu.dimension_semantics<core_parallel>, #tpu.dimension_semantics<subcore_parallel>], iteration_bounds = array<i64: 2, 16>, scalar_prefetch = 0 : i64, scratch_operands = 9 : i64, tpu.core_type = #tpu.core_type<sc_vector_subcore>, window_params = [{transform_indices = #map}, {transform_indices = #map}, {transform_indices = #map1}, {transform_indices = #map}, {transform_indices = #map1}, {transform_indices = #map}, {transform_indices = #map}]} {
    %mul3A = arith.constant 2 : i32
    %mul3A_0 = arith.muli %arg1, %mul3A : i32
    %add3A = arith.addi %mul3A_0, %arg0 : i32
    %mul3A_1 = arith.constant 512 : i32
    %mul3A_2 = arith.muli %add3A, %mul3A_1 : i32
    "tpu.region"() ({
      %run_scoped3A = tpu.sem_alloc : memref<!tpu.dma_semaphore, #tpu.memory_space<semaphore_mem>>
      %dma_start3A_29 = tpu.memref_slice %arg2[%mul3A_2] : memref<16384xi32, #tpu.memory_space<hbm>> -> memref<512xi32, #tpu.memory_space<hbm>>
      %dma_start3A_30 = tpu.memref_slice %arg2[%mul3A_2] : memref<16384xi32, #tpu.memory_space<hbm>> -> memref<512xi32, #tpu.memory_space<hbm>>
      tpu.enqueue_dma source(%dma_start3A_30 : memref<512xi32, #tpu.memory_space<hbm>>) target(%arg9 : memref<512xi32, #tpu.memory_space<vmem>>) target_semaphore(%run_scoped3A : memref<!tpu.dma_semaphore, #tpu.memory_space<semaphore_mem>>)
      %dma_wait3A_31 = tpu.memref_slice %arg2[%mul3A_2] : memref<16384xi32, #tpu.memory_space<hbm>> -> memref<512xi32, #tpu.memory_space<hbm>>
      %dma_wait3A_32 = tpu.memref_slice %arg2[%mul3A_2] : memref<16384xi32, #tpu.memory_space<hbm>> -> memref<512xi32, #tpu.memory_space<hbm>>
      tpu.wait_dma2 semaphore(%run_scoped3A : memref<!tpu.dma_semaphore, #tpu.memory_space<semaphore_mem>>) src(%dma_wait3A_32 : memref<512xi32, #tpu.memory_space<hbm>>) dst(%arg9 : memref<512xi32, #tpu.memory_space<vmem>>)
      tpu.yield
    }) : () -> ()
    "tpu.region"() ({
      %run_scoped3A = tpu.sem_alloc : memref<!tpu.dma_semaphore, #tpu.memory_space<semaphore_mem>>
      %dma_start3A_29 = tpu.memref_slice %arg3[%mul3A_2] : memref<16384xi32, #tpu.memory_space<hbm>> -> memref<512xi32, #tpu.memory_space<hbm>>
      %dma_start3A_30 = tpu.memref_slice %arg3[%mul3A_2] : memref<16384xi32, #tpu.memory_space<hbm>> -> memref<512xi32, #tpu.memory_space<hbm>>
      tpu.enqueue_dma source(%dma_start3A_30 : memref<512xi32, #tpu.memory_space<hbm>>) target(%arg10 : memref<512xi32, #tpu.memory_space<vmem>>) target_semaphore(%run_scoped3A : memref<!tpu.dma_semaphore, #tpu.memory_space<semaphore_mem>>)
      %dma_wait3A_31 = tpu.memref_slice %arg3[%mul3A_2] : memref<16384xi32, #tpu.memory_space<hbm>> -> memref<512xi32, #tpu.memory_space<hbm>>
      %dma_wait3A_32 = tpu.memref_slice %arg3[%mul3A_2] : memref<16384xi32, #tpu.memory_space<hbm>> -> memref<512xi32, #tpu.memory_space<hbm>>
      tpu.wait_dma2 semaphore(%run_scoped3A : memref<!tpu.dma_semaphore, #tpu.memory_space<semaphore_mem>>) src(%dma_wait3A_32 : memref<512xi32, #tpu.memory_space<hbm>>) dst(%arg10 : memref<512xi32, #tpu.memory_space<vmem>>)
      tpu.yield
    }) : () -> ()
    %dma_start3A = arith.constant 0 : i32
    %dma_start3A_3 = arith.constant 0 : i32
    %dma_start3A_4 = tpu.memref_slice %arg4[%dma_start3A, %dma_start3A_3] : memref<1000000x64xf32, #tpu.memory_space<hbm>> -> memref<1000000x64xf32, #tpu.memory_space<hbm>>
    tpu.enqueue_indirect_dma source(%dma_start3A_4 : memref<1000000x64xf32, #tpu.memory_space<hbm>>) target(%arg11 : memref<512x64xf32, #tpu.memory_space<vmem>>) offsets(%arg9 : memref<512xi32, #tpu.memory_space<vmem>>) semaphore(%arg17 : memref<!tpu.dma_semaphore, #tpu.memory_space<semaphore_mem>>)
    %dma_start3A_5 = arith.constant 0 : i32
    %dma_start3A_6 = arith.constant 0 : i32
    %dma_start3A_7 = tpu.memref_slice %arg6[%dma_start3A_5, %dma_start3A_6] : memref<1000000x64xf32, #tpu.memory_space<hbm>> -> memref<1000000x64xf32, #tpu.memory_space<hbm>>
    tpu.enqueue_indirect_dma source(%dma_start3A_7 : memref<1000000x64xf32, #tpu.memory_space<hbm>>) target(%arg12 : memref<512x64xf32, #tpu.memory_space<vmem>>) offsets(%arg10 : memref<512xi32, #tpu.memory_space<vmem>>) semaphore(%arg17 : memref<!tpu.dma_semaphore, #tpu.memory_space<semaphore_mem>>)
    %dma_start3A_8 = arith.constant 0 : i32
    %dma_start3A_9 = tpu.memref_slice %arg5[%dma_start3A_8] : memref<1000000xf32, #tpu.memory_space<hbm>> -> memref<1000000xf32, #tpu.memory_space<hbm>>
    tpu.enqueue_indirect_dma source(%dma_start3A_9 : memref<1000000xf32, #tpu.memory_space<hbm>>) target(%arg13 : memref<512xf32, #tpu.memory_space<vmem>>) offsets(%arg9 : memref<512xi32, #tpu.memory_space<vmem>>) semaphore(%arg17 : memref<!tpu.dma_semaphore, #tpu.memory_space<semaphore_mem>>)
    %dma_start3A_10 = arith.constant 0 : i32
    %dma_start3A_11 = tpu.memref_slice %arg7[%dma_start3A_10] : memref<1000000xf32, #tpu.memory_space<hbm>> -> memref<1000000xf32, #tpu.memory_space<hbm>>
    tpu.enqueue_indirect_dma source(%dma_start3A_11 : memref<1000000xf32, #tpu.memory_space<hbm>>) target(%arg14 : memref<512xf32, #tpu.memory_space<vmem>>) offsets(%arg10 : memref<512xi32, #tpu.memory_space<vmem>>) semaphore(%arg17 : memref<!tpu.dma_semaphore, #tpu.memory_space<semaphore_mem>>)
    %dma_wait3A = arith.constant 0 : i32
    %dma_wait3A_12 = arith.constant 0 : i32
    %dma_wait3A_13 = tpu.memref_slice %arg4[%dma_wait3A, %dma_wait3A_12] : memref<1000000x64xf32, #tpu.memory_space<hbm>> -> memref<1000000x64xf32, #tpu.memory_space<hbm>>
    tpu.wait_indirect_dma semaphore(%arg17 : memref<!tpu.dma_semaphore, #tpu.memory_space<semaphore_mem>>) src(%dma_wait3A_13 : memref<1000000x64xf32, #tpu.memory_space<hbm>>) dst(%arg11 : memref<512x64xf32, #tpu.memory_space<vmem>>)
    %dma_wait3A_14 = arith.constant 0 : i32
    %dma_wait3A_15 = arith.constant 0 : i32
    %dma_wait3A_16 = tpu.memref_slice %arg6[%dma_wait3A_14, %dma_wait3A_15] : memref<1000000x64xf32, #tpu.memory_space<hbm>> -> memref<1000000x64xf32, #tpu.memory_space<hbm>>
    tpu.wait_indirect_dma semaphore(%arg17 : memref<!tpu.dma_semaphore, #tpu.memory_space<semaphore_mem>>) src(%dma_wait3A_16 : memref<1000000x64xf32, #tpu.memory_space<hbm>>) dst(%arg12 : memref<512x64xf32, #tpu.memory_space<vmem>>)
    %dma_wait3A_17 = arith.constant 0 : i32
    %dma_wait3A_18 = tpu.memref_slice %arg5[%dma_wait3A_17] : memref<1000000xf32, #tpu.memory_space<hbm>> -> memref<1000000xf32, #tpu.memory_space<hbm>>
    tpu.wait_indirect_dma semaphore(%arg17 : memref<!tpu.dma_semaphore, #tpu.memory_space<semaphore_mem>>) src(%dma_wait3A_18 : memref<1000000xf32, #tpu.memory_space<hbm>>) dst(%arg13 : memref<512xf32, #tpu.memory_space<vmem>>)
    %dma_wait3A_19 = arith.constant 0 : i32
    %dma_wait3A_20 = tpu.memref_slice %arg7[%dma_wait3A_19] : memref<1000000xf32, #tpu.memory_space<hbm>> -> memref<1000000xf32, #tpu.memory_space<hbm>>
    tpu.wait_indirect_dma semaphore(%arg17 : memref<!tpu.dma_semaphore, #tpu.memory_space<semaphore_mem>>) src(%dma_wait3A_20 : memref<1000000xf32, #tpu.memory_space<hbm>>) dst(%arg14 : memref<512xf32, #tpu.memory_space<vmem>>)
    %iota3A = tpu.iota {dimensions = array<i32: 0>} : vector<16xi32>
    %mul3A_21 = arith.constant 16 : i32
    %mul3A_22 = vector.broadcast %mul3A_21 : i32 to vector<16xi32>
    %mul3A_23 = arith.muli %iota3A, %mul3A_22 : vector<16xi32>
    %scan3A = arith.constant 0 : i32
    %scan3A_24 = arith.constant 0 : i32
    %scan3A_25 = arith.constant 32 : i32
    %scan3A_26 = arith.addi %scan3A_24, %scan3A_25 : i32
    %scan3A_27 = arith.constant 1 : i32
    scf.for %scan3A_29 = %scan3A_24 to %scan3A_26 step %scan3A_27  : i32 {
      %mul3A_30 = arith.constant 16 : i32
      %mul3A_31 = arith.muli %scan3A_29, %mul3A_30 : i32
      %add3A_32 = arith.constant 0 : i32
      %add3A_33 = arith.addi %mul3A_31, %add3A_32 : i32
      %get3A = arith.index_cast %add3A_33 : i32 to index
      %get3A_34 = arith.constant 0 : index
      %get3A_35 = tpu.vector_load %arg11[%get3A, %get3A_34] {strides = array<i32>} : memref<512x64xf32, #tpu.memory_space<vmem>>, vector<16xf32>,
      %get3A_36 = arith.index_cast %add3A_33 : i32 to index
      %get3A_37 = arith.constant 0 : index
      %get3A_38 = tpu.vector_load %arg12[%get3A_36, %get3A_37] {strides = array<i32>} : memref<512x64xf32, #tpu.memory_space<vmem>>, vector<16xf32>,
      %mul3A_39 = arith.mulf %get3A_35, %get3A_38 : vector<16xf32>
      %get3A_40 = arith.index_cast %add3A_33 : i32 to index
      %get3A_41 = arith.constant 16 : index
      %get3A_42 = tpu.vector_load %arg11[%get3A_40, %get3A_41] {strides = array<i32>} : memref<512x64xf32, #tpu.memory_space<vmem>>, vector<16xf32>,
      %get3A_43 = arith.index_cast %add3A_33 : i32 to index
      %get3A_44 = arith.constant 16 : index
      %get3A_45 = tpu.vector_load %arg12[%get3A_43, %get3A_44] {strides = array<i32>} : memref<512x64xf32, #tpu.memory_space<vmem>>, vector<16xf32>,
      %mul3A_46 = arith.mulf %get3A_42, %get3A_45 : vector<16xf32>
      %add3A_47 = arith.addf %mul3A_39, %mul3A_46 : vector<16xf32>
      %get3A_48 = arith.index_cast %add3A_33 : i32 to index
      %get3A_49 = arith.constant 32 : index
      %get3A_50 = tpu.vector_load %arg11[%get3A_48, %get3A_49] {strides = array<i32>} : memref<512x64xf32, #tpu.memory_space<vmem>>, vector<16xf32>,
      %get3A_51 = arith.index_cast %add3A_33 : i32 to index
      %get3A_52 = arith.constant 32 : index
      %get3A_53 = tpu.vector_load %arg12[%get3A_51, %get3A_52] {strides = array<i32>} : memref<512x64xf32, #tpu.memory_space<vmem>>, vector<16xf32>,
      %mul3A_54 = arith.mulf %get3A_50, %get3A_53 : vector<16xf32>
      %add3A_55 = arith.addf %add3A_47, %mul3A_54 : vector<16xf32>
      %get3A_56 = arith.index_cast %add3A_33 : i32 to index
      %get3A_57 = arith.constant 48 : index
      %get3A_58 = tpu.vector_load %arg11[%get3A_56, %get3A_57] {strides = array<i32>} : memref<512x64xf32, #tpu.memory_space<vmem>>, vector<16xf32>,
      %get3A_59 = arith.index_cast %add3A_33 : i32 to index
      %get3A_60 = arith.constant 48 : index
      %get3A_61 = tpu.vector_load %arg12[%get3A_59, %get3A_60] {strides = array<i32>} : memref<512x64xf32, #tpu.memory_space<vmem>>, vector<16xf32>,
      %mul3A_62 = arith.mulf %get3A_58, %get3A_61 : vector<16xf32>
      %add3A_63 = arith.addf %add3A_55, %mul3A_62 : vector<16xf32>
      %swap3A = arith.constant 0 : index
      %swap3A_64 = tpu.vector_load %arg15[%swap3A] {strides = array<i32>} : memref<256xf32, #tpu.memory_space<vmem>>, vector<16xf32>,
      tpu.vector_store %arg15[%swap3A], %add3A_63 {strides = array<i32>} : memref<256xf32, #tpu.memory_space<vmem>>, vector<16xf32>,
      %add3A_65 = arith.constant 1 : i32
      %add3A_66 = arith.addi %mul3A_31, %add3A_65 : i32
      %get3A_67 = arith.index_cast %add3A_66 : i32 to index
      %get3A_68 = arith.constant 0 : index
      %get3A_69 = tpu.vector_load %arg11[%get3A_67, %get3A_68] {strides = array<i32>} : memref<512x64xf32, #tpu.memory_space<vmem>>, vector<16xf32>,
      %get3A_70 = arith.index_cast %add3A_66 : i32 to index
      %get3A_71 = arith.constant 0 : index
      %get3A_72 = tpu.vector_load %arg12[%get3A_70, %get3A_71] {strides = array<i32>} : memref<512x64xf32, #tpu.memory_space<vmem>>, vector<16xf32>,
      %mul3A_73 = arith.mulf %get3A_69, %get3A_72 : vector<16xf32>
      %get3A_74 = arith.index_cast %add3A_66 : i32 to index
      %get3A_75 = arith.constant 16 : index
      %get3A_76 = tpu.vector_load %arg11[%get3A_74, %get3A_75] {strides = array<i32>} : memref<512x64xf32, #tpu.memory_space<vmem>>, vector<16xf32>,
      %get3A_77 = arith.index_cast %add3A_66 : i32 to index
      %get3A_78 = arith.constant 16 : index
      %get3A_79 = tpu.vector_load %arg12[%get3A_77, %get3A_78] {strides = array<i32>} : memref<512x64xf32, #tpu.memory_space<vmem>>, vector<16xf32>,
      %mul3A_80 = arith.mulf %get3A_76, %get3A_79 : vector<16xf32>
      %add3A_81 = arith.addf %mul3A_73, %mul3A_80 : vector<16xf32>
      %get3A_82 = arith.index_cast %add3A_66 : i32 to index
      %get3A_83 = arith.constant 32 : index
      %get3A_84 = tpu.vector_load %arg11[%get3A_82, %get3A_83] {strides = array<i32>} : memref<512x64xf32, #tpu.memory_space<vmem>>, vector<16xf32>,
      %get3A_85 = arith.index_cast %add3A_66 : i32 to index
      %get3A_86 = arith.constant 32 : index
      %get3A_87 = tpu.vector_load %arg12[%get3A_85, %get3A_86] {strides = array<i32>} : memref<512x64xf32, #tpu.memory_space<vmem>>, vector<16xf32>,
      %mul3A_88 = arith.mulf %get3A_84, %get3A_87 : vector<16xf32>
      %add3A_89 = arith.addf %add3A_81, %mul3A_88 : vector<16xf32>
      %get3A_90 = arith.index_cast %add3A_66 : i32 to index
      %get3A_91 = arith.constant 48 : index
      %get3A_92 = tpu.vector_load %arg11[%get3A_90, %get3A_91] {strides = array<i32>} : memref<512x64xf32, #tpu.memory_space<vmem>>, vector<16xf32>,
      %get3A_93 = arith.index_cast %add3A_66 : i32 to index
      %get3A_94 = arith.constant 48 : index
      %get3A_95 = tpu.vector_load %arg12[%get3A_93, %get3A_94] {strides = array<i32>} : memref<512x64xf32, #tpu.memory_space<vmem>>, vector<16xf32>,
      %mul3A_96 = arith.mulf %get3A_92, %get3A_95 : vector<16xf32>
      %add3A_97 = arith.addf %add3A_89, %mul3A_96 : vector<16xf32>
      %swap3A_98 = arith.constant 16 : index
      %swap3A_99 = tpu.vector_load %arg15[%swap3A_98] {strides = array<i32>} : memref<256xf32, #tpu.memory_space<vmem>>, vector<16xf32>,
      tpu.vector_store %arg15[%swap3A_98], %add3A_97 {strides = array<i32>} : memref<256xf32, #tpu.memory_space<vmem>>, vector<16xf32>,
      %add3A_100 = arith.constant 2 : i32
      %add3A_101 = arith.addi %mul3A_31, %add3A_100 : i32
      %get3A_102 = arith.index_cast %add3A_101 : i32 to index
      %get3A_103 = arith.constant 0 : index
      %get3A_104 = tpu.vector_load %arg11[%get3A_102, %get3A_103] {strides = array<i32>} : memref<512x64xf32, #tpu.memory_space<vmem>>, vector<16xf32>,
      %get3A_105 = arith.index_cast %add3A_101 : i32 to index
      %get3A_106 = arith.constant 0 : index
      %get3A_107 = tpu.vector_load %arg12[%get3A_105, %get3A_106] {strides = array<i32>} : memref<512x64xf32, #tpu.memory_space<vmem>>, vector<16xf32>,
      %mul3A_108 = arith.mulf %get3A_104, %get3A_107 : vector<16xf32>
      %get3A_109 = arith.index_cast %add3A_101 : i32 to index
      %get3A_110 = arith.constant 16 : index
      %get3A_111 = tpu.vector_load %arg11[%get3A_109, %get3A_110] {strides = array<i32>} : memref<512x64xf32, #tpu.memory_space<vmem>>, vector<16xf32>,
      %get3A_112 = arith.index_cast %add3A_101 : i32 to index
      %get3A_113 = arith.constant 16 : index
      %get3A_114 = tpu.vector_load %arg12[%get3A_112, %get3A_113] {strides = array<i32>} : memref<512x64xf32, #tpu.memory_space<vmem>>, vector<16xf32>,
      %mul3A_115 = arith.mulf %get3A_111, %get3A_114 : vector<16xf32>
      %add3A_116 = arith.addf %mul3A_108, %mul3A_115 : vector<16xf32>
      %get3A_117 = arith.index_cast %add3A_101 : i32 to index
      %get3A_118 = arith.constant 32 : index
      %get3A_119 = tpu.vector_load %arg11[%get3A_117, %get3A_118] {strides = array<i32>} : memref<512x64xf32, #tpu.memory_space<vmem>>, vector<16xf32>,
      %get3A_120 = arith.index_cast %add3A_101 : i32 to index
      %get3A_121 = arith.constant 32 : index
      %get3A_122 = tpu.vector_load %arg12[%get3A_120, %get3A_121] {strides = array<i32>} : memref<512x64xf32, #tpu.memory_space<vmem>>, vector<16xf32>,
      %mul3A_123 = arith.mulf %get3A_119, %get3A_122 : vector<16xf32>
      %add3A_124 = arith.addf %add3A_116, %mul3A_123 : vector<16xf32>
      %get3A_125 = arith.index_cast %add3A_101 : i32 to index
      %get3A_126 = arith.constant 48 : index
      %get3A_127 = tpu.vector_load %arg11[%get3A_125, %get3A_126] {strides = array<i32>} : memref<512x64xf32, #tpu.memory_space<vmem>>, vector<16xf32>,
      %get3A_128 = arith.index_cast %add3A_101 : i32 to index
      %get3A_129 = arith.constant 48 : index
      %get3A_130 = tpu.vector_load %arg12[%get3A_128, %get3A_129] {strides = array<i32>} : memref<512x64xf32, #tpu.memory_space<vmem>>, vector<16xf32>,
      %mul3A_131 = arith.mulf %get3A_127, %get3A_130 : vector<16xf32>
      %add3A_132 = arith.addf %add3A_124, %mul3A_131 : vector<16xf32>
      %swap3A_133 = arith.constant 32 : index
      %swap3A_134 = tpu.vector_load %arg15[%swap3A_133] {strides = array<i32>} : memref<256xf32, #tpu.memory_space<vmem>>, vector<16xf32>,
      tpu.vector_store %arg15[%swap3A_133], %add3A_132 {strides = array<i32>} : memref<256xf32, #tpu.memory_space<vmem>>, vector<16xf32>,
      %add3A_135 = arith.constant 3 : i32
      %add3A_136 = arith.addi %mul3A_31, %add3A_135 : i32
      %get3A_137 = arith.index_cast %add3A_136 : i32 to index
      %get3A_138 = arith.constant 0 : index
      %get3A_139 = tpu.vector_load %arg11[%get3A_137, %get3A_138] {strides = array<i32>} : memref<512x64xf32, #tpu.memory_space<vmem>>, vector<16xf32>,
      %get3A_140 = arith.index_cast %add3A_136 : i32 to index
      %get3A_141 = arith.constant 0 : index
      %get3A_142 = tpu.vector_load %arg12[%get3A_140, %get3A_141] {strides = array<i32>} : memref<512x64xf32, #tpu.memory_space<vmem>>, vector<16xf32>,
      %mul3A_143 = arith.mulf %get3A_139, %get3A_142 : vector<16xf32>
      %get3A_144 = arith.index_cast %add3A_136 : i32 to index
      %get3A_145 = arith.constant 16 : index
      %get3A_146 = tpu.vector_load %arg11[%get3A_144, %get3A_145] {strides = array<i32>} : memref<512x64xf32, #tpu.memory_space<vmem>>, vector<16xf32>,
      %get3A_147 = arith.index_cast %add3A_136 : i32 to index
      %get3A_148 = arith.constant 16 : index
      %get3A_149 = tpu.vector_load %arg12[%get3A_147, %get3A_148] {strides = array<i32>} : memref<512x64xf32, #tpu.memory_space<vmem>>, vector<16xf32>,
      %mul3A_150 = arith.mulf %get3A_146, %get3A_149 : vector<16xf32>
      %add3A_151 = arith.addf %mul3A_143, %mul3A_150 : vector<16xf32>
      %get3A_152 = arith.index_cast %add3A_136 : i32 to index
      %get3A_153 = arith.constant 32 : index
      %get3A_154 = tpu.vector_load %arg11[%get3A_152, %get3A_153] {strides = array<i32>} : memref<512x64xf32, #tpu.memory_space<vmem>>, vector<16xf32>,
      %get3A_155 = arith.index_cast %add3A_136 : i32 to index
      %get3A_156 = arith.constant 32 : index
      %get3A_157 = tpu.vector_load %arg12[%get3A_155, %get3A_156] {strides = array<i32>} : memref<512x64xf32, #tpu.memory_space<vmem>>, vector<16xf32>,
      %mul3A_158 = arith.mulf %get3A_154, %get3A_157 : vector<16xf32>
      %add3A_159 = arith.addf %add3A_151, %mul3A_158 : vector<16xf32>
      %get3A_160 = arith.index_cast %add3A_136 : i32 to index
      %get3A_161 = arith.constant 48 : index
      %get3A_162 = tpu.vector_load %arg11[%get3A_160, %get3A_161] {strides = array<i32>} : memref<512x64xf32, #tpu.memory_space<vmem>>, vector<16xf32>,
      %get3A_163 = arith.index_cast %add3A_136 : i32 to index
      %get3A_164 = arith.constant 48 : index
      %get3A_165 = tpu.vector_load %arg12[%get3A_163, %get3A_164] {strides = array<i32>} : memref<512x64xf32, #tpu.memory_space<vmem>>, vector<16xf32>,
      %mul3A_166 = arith.mulf %get3A_162, %get3A_165 : vector<16xf32>
      %add3A_167 = arith.addf %add3A_159, %mul3A_166 : vector<16xf32>
      %swap3A_168 = arith.constant 48 : index
      %swap3A_169 = tpu.vector_load %arg15[%swap3A_168] {strides = array<i32>} : memref<256xf32, #tpu.memory_space<vmem>>, vector<16xf32>,
      tpu.vector_store %arg15[%swap3A_168], %add3A_167 {strides = array<i32>} : memref<256xf32, #tpu.memory_space<vmem>>, vector<16xf32>,
      %add3A_170 = arith.constant 4 : i32
      %add3A_171 = arith.addi %mul3A_31, %add3A_170 : i32
      %get3A_172 = arith.index_cast %add3A_171 : i32 to index
      %get3A_173 = arith.constant 0 : index
      %get3A_174 = tpu.vector_load %arg11[%get3A_172, %get3A_173] {strides = array<i32>} : memref<512x64xf32, #tpu.memory_space<vmem>>, vector<16xf32>,
      %get3A_175 = arith.index_cast %add3A_171 : i32 to index
      %get3A_176 = arith.constant 0 : index
      %get3A_177 = tpu.vector_load %arg12[%get3A_175, %get3A_176] {strides = array<i32>} : memref<512x64xf32, #tpu.memory_space<vmem>>, vector<16xf32>,
      %mul3A_178 = arith.mulf %get3A_174, %get3A_177 : vector<16xf32>
      %get3A_179 = arith.index_cast %add3A_171 : i32 to index
      %get3A_180 = arith.constant 16 : index
      %get3A_181 = tpu.vector_load %arg11[%get3A_179, %get3A_180] {strides = array<i32>} : memref<512x64xf32, #tpu.memory_space<vmem>>, vector<16xf32>,
      %get3A_182 = arith.index_cast %add3A_171 : i32 to index
      %get3A_183 = arith.constant 16 : index
      %get3A_184 = tpu.vector_load %arg12[%get3A_182, %get3A_183] {strides = array<i32>} : memref<512x64xf32, #tpu.memory_space<vmem>>, vector<16xf32>,
      %mul3A_185 = arith.mulf %get3A_181, %get3A_184 : vector<16xf32>
      %add3A_186 = arith.addf %mul3A_178, %mul3A_185 : vector<16xf32>
      %get3A_187 = arith.index_cast %add3A_171 : i32 to index
      %get3A_188 = arith.constant 32 : index
      %get3A_189 = tpu.vector_load %arg11[%get3A_187, %get3A_188] {strides = array<i32>} : memref<512x64xf32, #tpu.memory_space<vmem>>, vector<16xf32>,
      %get3A_190 = arith.index_cast %add3A_171 : i32 to index
      %get3A_191 = arith.constant 32 : index
      %get3A_192 = tpu.vector_load %arg12[%get3A_190, %get3A_191] {strides = array<i32>} : memref<512x64xf32, #tpu.memory_space<vmem>>, vector<16xf32>,
      %mul3A_193 = arith.mulf %get3A_189, %get3A_192 : vector<16xf32>
      %add3A_194 = arith.addf %add3A_186, %mul3A_193 : vector<16xf32>
      %get3A_195 = arith.index_cast %add3A_171 : i32 to index
      %get3A_196 = arith.constant 48 : index
      %get3A_197 = tpu.vector_load %arg11[%get3A_195, %get3A_196] {strides = array<i32>} : memref<512x64xf32, #tpu.memory_space<vmem>>, vector<16xf32>,
      %get3A_198 = arith.index_cast %add3A_171 : i32 to index
      %get3A_199 = arith.constant 48 : index
      %get3A_200 = tpu.vector_load %arg12[%get3A_198, %get3A_199] {strides = array<i32>} : memref<512x64xf32, #tpu.memory_space<vmem>>, vector<16xf32>,
      %mul3A_201 = arith.mulf %get3A_197, %get3A_200 : vector<16xf32>
      %add3A_202 = arith.addf %add3A_194, %mul3A_201 : vector<16xf32>
      %swap3A_203 = arith.constant 64 : index
      %swap3A_204 = tpu.vector_load %arg15[%swap3A_203] {strides = array<i32>} : memref<256xf32, #tpu.memory_space<vmem>>, vector<16xf32>,
      tpu.vector_store %arg15[%swap3A_203], %add3A_202 {strides = array<i32>} : memref<256xf32, #tpu.memory_space<vmem>>, vector<16xf32>,
      %add3A_205 = arith.constant 5 : i32
      %add3A_206 = arith.addi %mul3A_31, %add3A_205 : i32
      %get3A_207 = arith.index_cast %add3A_206 : i32 to index
      %get3A_208 = arith.constant 0 : index
      %get3A_209 = tpu.vector_load %arg11[%get3A_207, %get3A_208] {strides = array<i32>} : memref<512x64xf32, #tpu.memory_space<vmem>>, vector<16xf32>,
      %get3A_210 = arith.index_cast %add3A_206 : i32 to index
      %get3A_211 = arith.constant 0 : index
      %get3A_212 = tpu.vector_load %arg12[%get3A_210, %get3A_211] {strides = array<i32>} : memref<512x64xf32, #tpu.memory_space<vmem>>, vector<16xf32>,
      %mul3A_213 = arith.mulf %get3A_209, %get3A_212 : vector<16xf32>
      %get3A_214 = arith.index_cast %add3A_206 : i32 to index
      %get3A_215 = arith.constant 16 : index
      %get3A_216 = tpu.vector_load %arg11[%get3A_214, %get3A_215] {strides = array<i32>} : memref<512x64xf32, #tpu.memory_space<vmem>>, vector<16xf32>,
      %get3A_217 = arith.index_cast %add3A_206 : i32 to index
      %get3A_218 = arith.constant 16 : index
      %get3A_219 = tpu.vector_load %arg12[%get3A_217, %get3A_218] {strides = array<i32>} : memref<512x64xf32, #tpu.memory_space<vmem>>, vector<16xf32>,
      %mul3A_220 = arith.mulf %get3A_216, %get3A_219 : vector<16xf32>
      %add3A_221 = arith.addf %mul3A_213, %mul3A_220 : vector<16xf32>
      %get3A_222 = arith.index_cast %add3A_206 : i32 to index
      %get3A_223 = arith.constant 32 : index
      %get3A_224 = tpu.vector_load %arg11[%get3A_222, %get3A_223] {strides = array<i32>} : memref<512x64xf32, #tpu.memory_space<vmem>>, vector<16xf32>,
      %get3A_225 = arith.index_cast %add3A_206 : i32 to index
      %get3A_226 = arith.constant 32 : index
      %get3A_227 = tpu.vector_load %arg12[%get3A_225, %get3A_226] {strides = array<i32>} : memref<512x64xf32, #tpu.memory_space<vmem>>, vector<16xf32>,
      %mul3A_228 = arith.mulf %get3A_224, %get3A_227 : vector<16xf32>
      %add3A_229 = arith.addf %add3A_221, %mul3A_228 : vector<16xf32>
      %get3A_230 = arith.index_cast %add3A_206 : i32 to index
      %get3A_231 = arith.constant 48 : index
      %get3A_232 = tpu.vector_load %arg11[%get3A_230, %get3A_231] {strides = array<i32>} : memref<512x64xf32, #tpu.memory_space<vmem>>, vector<16xf32>,
      %get3A_233 = arith.index_cast %add3A_206 : i32 to index
      %get3A_234 = arith.constant 48 : index
      %get3A_235 = tpu.vector_load %arg12[%get3A_233, %get3A_234] {strides = array<i32>} : memref<512x64xf32, #tpu.memory_space<vmem>>, vector<16xf32>,
      %mul3A_236 = arith.mulf %get3A_232, %get3A_235 : vector<16xf32>
      %add3A_237 = arith.addf %add3A_229, %mul3A_236 : vector<16xf32>
      %swap3A_238 = arith.constant 80 : index
      %swap3A_239 = tpu.vector_load %arg15[%swap3A_238] {strides = array<i32>} : memref<256xf32, #tpu.memory_space<vmem>>, vector<16xf32>,
      tpu.vector_store %arg15[%swap3A_238], %add3A_237 {strides = array<i32>} : memref<256xf32, #tpu.memory_space<vmem>>, vector<16xf32>,
      %add3A_240 = arith.constant 6 : i32
      %add3A_241 = arith.addi %mul3A_31, %add3A_240 : i32
      %get3A_242 = arith.index_cast %add3A_241 : i32 to index
      %get3A_243 = arith.constant 0 : index
      %get3A_244 = tpu.vector_load %arg11[%get3A_242, %get3A_243] {strides = array<i32>} : memref<512x64xf32, #tpu.memory_space<vmem>>, vector<16xf32>,
      %get3A_245 = arith.index_cast %add3A_241 : i32 to index
      %get3A_246 = arith.constant 0 : index
      %get3A_247 = tpu.vector_load %arg12[%get3A_245, %get3A_246] {strides = array<i32>} : memref<512x64xf32, #tpu.memory_space<vmem>>, vector<16xf32>,
      %mul3A_248 = arith.mulf %get3A_244, %get3A_247 : vector<16xf32>
      %get3A_249 = arith.index_cast %add3A_241 : i32 to index
      %get3A_250 = arith.constant 16 : index
      %get3A_251 = tpu.vector_load %arg11[%get3A_249, %get3A_250] {strides = array<i32>} : memref<512x64xf32, #tpu.memory_space<vmem>>, vector<16xf32>,
      %get3A_252 = arith.index_cast %add3A_241 : i32 to index
      %get3A_253 = arith.constant 16 : index
      %get3A_254 = tpu.vector_load %arg12[%get3A_252, %get3A_253] {strides = array<i32>} : memref<512x64xf32, #tpu.memory_space<vmem>>, vector<16xf32>,
      %mul3A_255 = arith.mulf %get3A_251, %get3A_254 : vector<16xf32>
      %add3A_256 = arith.addf %mul3A_248, %mul3A_255 : vector<16xf32>
      %get3A_257 = arith.index_cast %add3A_241 : i32 to index
      %get3A_258 = arith.constant 32 : index
      %get3A_259 = tpu.vector_load %arg11[%get3A_257, %get3A_258] {strides = array<i32>} : memref<512x64xf32, #tpu.memory_space<vmem>>, vector<16xf32>,
      %get3A_260 = arith.index_cast %add3A_241 : i32 to index
      %get3A_261 = arith.constant 32 : index
      %get3A_262 = tpu.vector_load %arg12[%get3A_260, %get3A_261] {strides = array<i32>} : memref<512x64xf32, #tpu.memory_space<vmem>>, vector<16xf32>,
      %mul3A_263 = arith.mulf %get3A_259, %get3A_262 : vector<16xf32>
      %add3A_264 = arith.addf %add3A_256, %mul3A_263 : vector<16xf32>
      %get3A_265 = arith.index_cast %add3A_241 : i32 to index
      %get3A_266 = arith.constant 48 : index
      %get3A_267 = tpu.vector_load %arg11[%get3A_265, %get3A_266] {strides = array<i32>} : memref<512x64xf32, #tpu.memory_space<vmem>>, vector<16xf32>,
      %get3A_268 = arith.index_cast %add3A_241 : i32 to index
      %get3A_269 = arith.constant 48 : index
      %get3A_270 = tpu.vector_load %arg12[%get3A_268, %get3A_269] {strides = array<i32>} : memref<512x64xf32, #tpu.memory_space<vmem>>, vector<16xf32>,
      %mul3A_271 = arith.mulf %get3A_267, %get3A_270 : vector<16xf32>
      %add3A_272 = arith.addf %add3A_264, %mul3A_271 : vector<16xf32>
      %swap3A_273 = arith.constant 96 : index
      %swap3A_274 = tpu.vector_load %arg15[%swap3A_273] {strides = array<i32>} : memref<256xf32, #tpu.memory_space<vmem>>, vector<16xf32>,
      tpu.vector_store %arg15[%swap3A_273], %add3A_272 {strides = array<i32>} : memref<256xf32, #tpu.memory_space<vmem>>, vector<16xf32>,
      %add3A_275 = arith.constant 7 : i32
      %add3A_276 = arith.addi %mul3A_31, %add3A_275 : i32
      %get3A_277 = arith.index_cast %add3A_276 : i32 to index
      %get3A_278 = arith.constant 0 : index
      %get3A_279 = tpu.vector_load %arg11[%get3A_277, %get3A_278] {strides = array<i32>} : memref<512x64xf32, #tpu.memory_space<vmem>>, vector<16xf32>,
      %get3A_280 = arith.index_cast %add3A_276 : i32 to index
      %get3A_281 = arith.constant 0 : index
      %get3A_282 = tpu.vector_load %arg12[%get3A_280, %get3A_281] {strides = array<i32>} : memref<512x64xf32, #tpu.memory_space<vmem>>, vector<16xf32>,
      %mul3A_283 = arith.mulf %get3A_279, %get3A_282 : vector<16xf32>
      %get3A_284 = arith.index_cast %add3A_276 : i32 to index
      %get3A_285 = arith.constant 16 : index
      %get3A_286 = tpu.vector_load %arg11[%get3A_284, %get3A_285] {strides = array<i32>} : memref<512x64xf32, #tpu.memory_space<vmem>>, vector<16xf32>,
      %get3A_287 = arith.index_cast %add3A_276 : i32 to index
      %get3A_288 = arith.constant 16 : index
      %get3A_289 = tpu.vector_load %arg12[%get3A_287, %get3A_288] {strides = array<i32>} : memref<512x64xf32, #tpu.memory_space<vmem>>, vector<16xf32>,
      %mul3A_290 = arith.mulf %get3A_286, %get3A_289 : vector<16xf32>
      %add3A_291 = arith.addf %mul3A_283, %mul3A_290 : vector<16xf32>
      %get3A_292 = arith.index_cast %add3A_276 : i32 to index
      %get3A_293 = arith.constant 32 : index
      %get3A_294 = tpu.vector_load %arg11[%get3A_292, %get3A_293] {strides = array<i32>} : memref<512x64xf32, #tpu.memory_space<vmem>>, vector<16xf32>,
      %get3A_295 = arith.index_cast %add3A_276 : i32 to index
      %get3A_296 = arith.constant 32 : index
      %get3A_297 = tpu.vector_load %arg12[%get3A_295, %get3A_296] {strides = array<i32>} : memref<512x64xf32, #tpu.memory_space<vmem>>, vector<16xf32>,
      %mul3A_298 = arith.mulf %get3A_294, %get3A_297 : vector<16xf32>
      %add3A_299 = arith.addf %add3A_291, %mul3A_298 : vector<16xf32>
      %get3A_300 = arith.index_cast %add3A_276 : i32 to index
      %get3A_301 = arith.constant 48 : index
      %get3A_302 = tpu.vector_load %arg11[%get3A_300, %get3A_301] {strides = array<i32>} : memref<512x64xf32, #tpu.memory_space<vmem>>, vector<16xf32>,
      %get3A_303 = arith.index_cast %add3A_276 : i32 to index
      %get3A_304 = arith.constant 48 : index
      %get3A_305 = tpu.vector_load %arg12[%get3A_303, %get3A_304] {strides = array<i32>} : memref<512x64xf32, #tpu.memory_space<vmem>>, vector<16xf32>,
      %mul3A_306 = arith.mulf %get3A_302, %get3A_305 : vector<16xf32>
      %add3A_307 = arith.addf %add3A_299, %mul3A_306 : vector<16xf32>
      %swap3A_308 = arith.constant 112 : index
      %swap3A_309 = tpu.vector_load %arg15[%swap3A_308] {strides = array<i32>} : memref<256xf32, #tpu.memory_space<vmem>>, vector<16xf32>,
      tpu.vector_store %arg15[%swap3A_308], %add3A_307 {strides = array<i32>} : memref<256xf32, #tpu.memory_space<vmem>>, vector<16xf32>,
      %add3A_310 = arith.constant 8 : i32
      %add3A_311 = arith.addi %mul3A_31, %add3A_310 : i32
      %get3A_312 = arith.index_cast %add3A_311 : i32 to index
      %get3A_313 = arith.constant 0 : index
      %get3A_314 = tpu.vector_load %arg11[%get3A_312, %get3A_313] {strides = array<i32>} : memref<512x64xf32, #tpu.memory_space<vmem>>, vector<16xf32>,
      %get3A_315 = arith.index_cast %add3A_311 : i32 to index
      %get3A_316 = arith.constant 0 : index
      %get3A_317 = tpu.vector_load %arg12[%get3A_315, %get3A_316] {strides = array<i32>} : memref<512x64xf32, #tpu.memory_space<vmem>>, vector<16xf32>,
      %mul3A_318 = arith.mulf %get3A_314, %get3A_317 : vector<16xf32>
      %get3A_319 = arith.index_cast %add3A_311 : i32 to index
      %get3A_320 = arith.constant 16 : index
      %get3A_321 = tpu.vector_load %arg11[%get3A_319, %get3A_320] {strides = array<i32>} : memref<512x64xf32, #tpu.memory_space<vmem>>, vector<16xf32>,
      %get3A_322 = arith.index_cast %add3A_311 : i32 to index
      %get3A_323 = arith.constant 16 : index
      %get3A_324 = tpu.vector_load %arg12[%get3A_322, %get3A_323] {strides = array<i32>} : memref<512x64xf32, #tpu.memory_space<vmem>>, vector<16xf32>,
      %mul3A_325 = arith.mulf %get3A_321, %get3A_324 : vector<16xf32>
      %add3A_326 = arith.addf %mul3A_318, %mul3A_325 : vector<16xf32>
      %get3A_327 = arith.index_cast %add3A_311 : i32 to index
      %get3A_328 = arith.constant 32 : index
      %get3A_329 = tpu.vector_load %arg11[%get3A_327, %get3A_328] {strides = array<i32>} : memref<512x64xf32, #tpu.memory_space<vmem>>, vector<16xf32>,
      %get3A_330 = arith.index_cast %add3A_311 : i32 to index
      %get3A_331 = arith.constant 32 : index
      %get3A_332 = tpu.vector_load %arg12[%get3A_330, %get3A_331] {strides = array<i32>} : memref<512x64xf32, #tpu.memory_space<vmem>>, vector<16xf32>,
      %mul3A_333 = arith.mulf %get3A_329, %get3A_332 : vector<16xf32>
      %add3A_334 = arith.addf %add3A_326, %mul3A_333 : vector<16xf32>
      %get3A_335 = arith.index_cast %add3A_311 : i32 to index
      %get3A_336 = arith.constant 48 : index
      %get3A_337 = tpu.vector_load %arg11[%get3A_335, %get3A_336] {strides = array<i32>} : memref<512x64xf32, #tpu.memory_space<vmem>>, vector<16xf32>,
      %get3A_338 = arith.index_cast %add3A_311 : i32 to index
      %get3A_339 = arith.constant 48 : index
      %get3A_340 = tpu.vector_load %arg12[%get3A_338, %get3A_339] {strides = array<i32>} : memref<512x64xf32, #tpu.memory_space<vmem>>, vector<16xf32>,
      %mul3A_341 = arith.mulf %get3A_337, %get3A_340 : vector<16xf32>
      %add3A_342 = arith.addf %add3A_334, %mul3A_341 : vector<16xf32>
      %swap3A_343 = arith.constant 128 : index
      %swap3A_344 = tpu.vector_load %arg15[%swap3A_343] {strides = array<i32>} : memref<256xf32, #tpu.memory_space<vmem>>, vector<16xf32>,
      tpu.vector_store %arg15[%swap3A_343], %add3A_342 {strides = array<i32>} : memref<256xf32, #tpu.memory_space<vmem>>, vector<16xf32>,
      %add3A_345 = arith.constant 9 : i32
      %add3A_346 = arith.addi %mul3A_31, %add3A_345 : i32
      %get3A_347 = arith.index_cast %add3A_346 : i32 to index
      %get3A_348 = arith.constant 0 : index
      %get3A_349 = tpu.vector_load %arg11[%get3A_347, %get3A_348] {strides = array<i32>} : memref<512x64xf32, #tpu.memory_space<vmem>>, vector<16xf32>,
      %get3A_350 = arith.index_cast %add3A_346 : i32 to index
      %get3A_351 = arith.constant 0 : index
      %get3A_352 = tpu.vector_load %arg12[%get3A_350, %get3A_351] {strides = array<i32>} : memref<512x64xf32, #tpu.memory_space<vmem>>, vector<16xf32>,
      %mul3A_353 = arith.mulf %get3A_349, %get3A_352 : vector<16xf32>
      %get3A_354 = arith.index_cast %add3A_346 : i32 to index
      %get3A_355 = arith.constant 16 : index
      %get3A_356 = tpu.vector_load %arg11[%get3A_354, %get3A_355] {strides = array<i32>} : memref<512x64xf32, #tpu.memory_space<vmem>>, vector<16xf32>,
      %get3A_357 = arith.index_cast %add3A_346 : i32 to index
      %get3A_358 = arith.constant 16 : index
      %get3A_359 = tpu.vector_load %arg12[%get3A_357, %get3A_358] {strides = array<i32>} : memref<512x64xf32, #tpu.memory_space<vmem>>, vector<16xf32>,
      %mul3A_360 = arith.mulf %get3A_356, %get3A_359 : vector<16xf32>
      %add3A_361 = arith.addf %mul3A_353, %mul3A_360 : vector<16xf32>
      %get3A_362 = arith.index_cast %add3A_346 : i32 to index
      %get3A_363 = arith.constant 32 : index
      %get3A_364 = tpu.vector_load %arg11[%get3A_362, %get3A_363] {strides = array<i32>} : memref<512x64xf32, #tpu.memory_space<vmem>>, vector<16xf32>,
      %get3A_365 = arith.index_cast %add3A_346 : i32 to index
      %get3A_366 = arith.constant 32 : index
      %get3A_367 = tpu.vector_load %arg12[%get3A_365, %get3A_366] {strides = array<i32>} : memref<512x64xf32, #tpu.memory_space<vmem>>, vector<16xf32>,
      %mul3A_368 = arith.mulf %get3A_364, %get3A_367 : vector<16xf32>
      %add3A_369 = arith.addf %add3A_361, %mul3A_368 : vector<16xf32>
      %get3A_370 = arith.index_cast %add3A_346 : i32 to index
      %get3A_371 = arith.constant 48 : index
      %get3A_372 = tpu.vector_load %arg11[%get3A_370, %get3A_371] {strides = array<i32>} : memref<512x64xf32, #tpu.memory_space<vmem>>, vector<16xf32>,
      %get3A_373 = arith.index_cast %add3A_346 : i32 to index
      %get3A_374 = arith.constant 48 : index
      %get3A_375 = tpu.vector_load %arg12[%get3A_373, %get3A_374] {strides = array<i32>} : memref<512x64xf32, #tpu.memory_space<vmem>>, vector<16xf32>,
      %mul3A_376 = arith.mulf %get3A_372, %get3A_375 : vector<16xf32>
      %add3A_377 = arith.addf %add3A_369, %mul3A_376 : vector<16xf32>
      %swap3A_378 = arith.constant 144 : index
      %swap3A_379 = tpu.vector_load %arg15[%swap3A_378] {strides = array<i32>} : memref<256xf32, #tpu.memory_space<vmem>>, vector<16xf32>,
      tpu.vector_store %arg15[%swap3A_378], %add3A_377 {strides = array<i32>} : memref<256xf32, #tpu.memory_space<vmem>>, vector<16xf32>,
      %add3A_380 = arith.constant 10 : i32
      %add3A_381 = arith.addi %mul3A_31, %add3A_380 : i32
      %get3A_382 = arith.index_cast %add3A_381 : i32 to index
      %get3A_383 = arith.constant 0 : index
      %get3A_384 = tpu.vector_load %arg11[%get3A_382, %get3A_383] {strides = array<i32>} : memref<512x64xf32, #tpu.memory_space<vmem>>, vector<16xf32>,
      %get3A_385 = arith.index_cast %add3A_381 : i32 to index
      %get3A_386 = arith.constant 0 : index
      %get3A_387 = tpu.vector_load %arg12[%get3A_385, %get3A_386] {strides = array<i32>} : memref<512x64xf32, #tpu.memory_space<vmem>>, vector<16xf32>,
      %mul3A_388 = arith.mulf %get3A_384, %get3A_387 : vector<16xf32>
      %get3A_389 = arith.index_cast %add3A_381 : i32 to index
      %get3A_390 = arith.constant 16 : index
      %get3A_391 = tpu.vector_load %arg11[%get3A_389, %get3A_390] {strides = array<i32>} : memref<512x64xf32, #tpu.memory_space<vmem>>, vector<16xf32>,
      %get3A_392 = arith.index_cast %add3A_381 : i32 to index
      %get3A_393 = arith.constant 16 : index
      %get3A_394 = tpu.vector_load %arg12[%get3A_392, %get3A_393] {strides = array<i32>} : memref<512x64xf32, #tpu.memory_space<vmem>>, vector<16xf32>,
      %mul3A_395 = arith.mulf %get3A_391, %get3A_394 : vector<16xf32>
      %add3A_396 = arith.addf %mul3A_388, %mul3A_395 : vector<16xf32>
      %get3A_397 = arith.index_cast %add3A_381 : i32 to index
      %get3A_398 = arith.constant 32 : index
      %get3A_399 = tpu.vector_load %arg11[%get3A_397, %get3A_398] {strides = array<i32>} : memref<512x64xf32, #tpu.memory_space<vmem>>, vector<16xf32>,
      %get3A_400 = arith.index_cast %add3A_381 : i32 to index
      %get3A_401 = arith.constant 32 : index
      %get3A_402 = tpu.vector_load %arg12[%get3A_400, %get3A_401] {strides = array<i32>} : memref<512x64xf32, #tpu.memory_space<vmem>>, vector<16xf32>,
      %mul3A_403 = arith.mulf %get3A_399, %get3A_402 : vector<16xf32>
      %add3A_404 = arith.addf %add3A_396, %mul3A_403 : vector<16xf32>
      %get3A_405 = arith.index_cast %add3A_381 : i32 to index
      %get3A_406 = arith.constant 48 : index
      %get3A_407 = tpu.vector_load %arg11[%get3A_405, %get3A_406] {strides = array<i32>} : memref<512x64xf32, #tpu.memory_space<vmem>>, vector<16xf32>,
      %get3A_408 = arith.index_cast %add3A_381 : i32 to index
      %get3A_409 = arith.constant 48 : index
      %get3A_410 = tpu.vector_load %arg12[%get3A_408, %get3A_409] {strides = array<i32>} : memref<512x64xf32, #tpu.memory_space<vmem>>, vector<16xf32>,
      %mul3A_411 = arith.mulf %get3A_407, %get3A_410 : vector<16xf32>
      %add3A_412 = arith.addf %add3A_404, %mul3A_411 : vector<16xf32>
      %swap3A_413 = arith.constant 160 : index
      %swap3A_414 = tpu.vector_load %arg15[%swap3A_413] {strides = array<i32>} : memref<256xf32, #tpu.memory_space<vmem>>, vector<16xf32>,
      tpu.vector_store %arg15[%swap3A_413], %add3A_412 {strides = array<i32>} : memref<256xf32, #tpu.memory_space<vmem>>, vector<16xf32>,
      %add3A_415 = arith.constant 11 : i32
      %add3A_416 = arith.addi %mul3A_31, %add3A_415 : i32
      %get3A_417 = arith.index_cast %add3A_416 : i32 to index
      %get3A_418 = arith.constant 0 : index
      %get3A_419 = tpu.vector_load %arg11[%get3A_417, %get3A_418] {strides = array<i32>} : memref<512x64xf32, #tpu.memory_space<vmem>>, vector<16xf32>,
      %get3A_420 = arith.index_cast %add3A_416 : i32 to index
      %get3A_421 = arith.constant 0 : index
      %get3A_422 = tpu.vector_load %arg12[%get3A_420, %get3A_421] {strides = array<i32>} : memref<512x64xf32, #tpu.memory_space<vmem>>, vector<16xf32>,
      %mul3A_423 = arith.mulf %get3A_419, %get3A_422 : vector<16xf32>
      %get3A_424 = arith.index_cast %add3A_416 : i32 to index
      %get3A_425 = arith.constant 16 : index
      %get3A_426 = tpu.vector_load %arg11[%get3A_424, %get3A_425] {strides = array<i32>} : memref<512x64xf32, #tpu.memory_space<vmem>>, vector<16xf32>,
      %get3A_427 = arith.index_cast %add3A_416 : i32 to index
      %get3A_428 = arith.constant 16 : index
      %get3A_429 = tpu.vector_load %arg12[%get3A_427, %get3A_428] {strides = array<i32>} : memref<512x64xf32, #tpu.memory_space<vmem>>, vector<16xf32>,
      %mul3A_430 = arith.mulf %get3A_426, %get3A_429 : vector<16xf32>
      %add3A_431 = arith.addf %mul3A_423, %mul3A_430 : vector<16xf32>
      %get3A_432 = arith.index_cast %add3A_416 : i32 to index
      %get3A_433 = arith.constant 32 : index
      %get3A_434 = tpu.vector_load %arg11[%get3A_432, %get3A_433] {strides = array<i32>} : memref<512x64xf32, #tpu.memory_space<vmem>>, vector<16xf32>,
      %get3A_435 = arith.index_cast %add3A_416 : i32 to index
      %get3A_436 = arith.constant 32 : index
      %get3A_437 = tpu.vector_load %arg12[%get3A_435, %get3A_436] {strides = array<i32>} : memref<512x64xf32, #tpu.memory_space<vmem>>, vector<16xf32>,
      %mul3A_438 = arith.mulf %get3A_434, %get3A_437 : vector<16xf32>
      %add3A_439 = arith.addf %add3A_431, %mul3A_438 : vector<16xf32>
      %get3A_440 = arith.index_cast %add3A_416 : i32 to index
      %get3A_441 = arith.constant 48 : index
      %get3A_442 = tpu.vector_load %arg11[%get3A_440, %get3A_441] {strides = array<i32>} : memref<512x64xf32, #tpu.memory_space<vmem>>, vector<16xf32>,
      %get3A_443 = arith.index_cast %add3A_416 : i32 to index
      %get3A_444 = arith.constant 48 : index
      %get3A_445 = tpu.vector_load %arg12[%get3A_443, %get3A_444] {strides = array<i32>} : memref<512x64xf32, #tpu.memory_space<vmem>>, vector<16xf32>,
      %mul3A_446 = arith.mulf %get3A_442, %get3A_445 : vector<16xf32>
      %add3A_447 = arith.addf %add3A_439, %mul3A_446 : vector<16xf32>
      %swap3A_448 = arith.constant 176 : index
      %swap3A_449 = tpu.vector_load %arg15[%swap3A_448] {strides = array<i32>} : memref<256xf32, #tpu.memory_space<vmem>>, vector<16xf32>,
      tpu.vector_store %arg15[%swap3A_448], %add3A_447 {strides = array<i32>} : memref<256xf32, #tpu.memory_space<vmem>>, vector<16xf32>,
      %add3A_450 = arith.constant 12 : i32
      %add3A_451 = arith.addi %mul3A_31, %add3A_450 : i32
      %get3A_452 = arith.index_cast %add3A_451 : i32 to index
      %get3A_453 = arith.constant 0 : index
      %get3A_454 = tpu.vector_load %arg11[%get3A_452, %get3A_453] {strides = array<i32>} : memref<512x64xf32, #tpu.memory_space<vmem>>, vector<16xf32>,
      %get3A_455 = arith.index_cast %add3A_451 : i32 to index
      %get3A_456 = arith.constant 0 : index
      %get3A_457 = tpu.vector_load %arg12[%get3A_455, %get3A_456] {strides = array<i32>} : memref<512x64xf32, #tpu.memory_space<vmem>>, vector<16xf32>,
      %mul3A_458 = arith.mulf %get3A_454, %get3A_457 : vector<16xf32>
      %get3A_459 = arith.index_cast %add3A_451 : i32 to index
      %get3A_460 = arith.constant 16 : index
      %get3A_461 = tpu.vector_load %arg11[%get3A_459, %get3A_460] {strides = array<i32>} : memref<512x64xf32, #tpu.memory_space<vmem>>, vector<16xf32>,
      %get3A_462 = arith.index_cast %add3A_451 : i32 to index
      %get3A_463 = arith.constant 16 : index
      %get3A_464 = tpu.vector_load %arg12[%get3A_462, %get3A_463] {strides = array<i32>} : memref<512x64xf32, #tpu.memory_space<vmem>>, vector<16xf32>,
      %mul3A_465 = arith.mulf %get3A_461, %get3A_464 : vector<16xf32>
      %add3A_466 = arith.addf %mul3A_458, %mul3A_465 : vector<16xf32>
      %get3A_467 = arith.index_cast %add3A_451 : i32 to index
      %get3A_468 = arith.constant 32 : index
      %get3A_469 = tpu.vector_load %arg11[%get3A_467, %get3A_468] {strides = array<i32>} : memref<512x64xf32, #tpu.memory_space<vmem>>, vector<16xf32>,
      %get3A_470 = arith.index_cast %add3A_451 : i32 to index
      %get3A_471 = arith.constant 32 : index
      %get3A_472 = tpu.vector_load %arg12[%get3A_470, %get3A_471] {strides = array<i32>} : memref<512x64xf32, #tpu.memory_space<vmem>>, vector<16xf32>,
      %mul3A_473 = arith.mulf %get3A_469, %get3A_472 : vector<16xf32>
      %add3A_474 = arith.addf %add3A_466, %mul3A_473 : vector<16xf32>
      %get3A_475 = arith.index_cast %add3A_451 : i32 to index
      %get3A_476 = arith.constant 48 : index
      %get3A_477 = tpu.vector_load %arg11[%get3A_475, %get3A_476] {strides = array<i32>} : memref<512x64xf32, #tpu.memory_space<vmem>>, vector<16xf32>,
      %get3A_478 = arith.index_cast %add3A_451 : i32 to index
      %get3A_479 = arith.constant 48 : index
      %get3A_480 = tpu.vector_load %arg12[%get3A_478, %get3A_479] {strides = array<i32>} : memref<512x64xf32, #tpu.memory_space<vmem>>, vector<16xf32>,
      %mul3A_481 = arith.mulf %get3A_477, %get3A_480 : vector<16xf32>
      %add3A_482 = arith.addf %add3A_474, %mul3A_481 : vector<16xf32>
      %swap3A_483 = arith.constant 192 : index
      %swap3A_484 = tpu.vector_load %arg15[%swap3A_483] {strides = array<i32>} : memref<256xf32, #tpu.memory_space<vmem>>, vector<16xf32>,
      tpu.vector_store %arg15[%swap3A_483], %add3A_482 {strides = array<i32>} : memref<256xf32, #tpu.memory_space<vmem>>, vector<16xf32>,
      %add3A_485 = arith.constant 13 : i32
      %add3A_486 = arith.addi %mul3A_31, %add3A_485 : i32
      %get3A_487 = arith.index_cast %add3A_486 : i32 to index
      %get3A_488 = arith.constant 0 : index
      %get3A_489 = tpu.vector_load %arg11[%get3A_487, %get3A_488] {strides = array<i32>} : memref<512x64xf32, #tpu.memory_space<vmem>>, vector<16xf32>,
      %get3A_490 = arith.index_cast %add3A_486 : i32 to index
      %get3A_491 = arith.constant 0 : index
      %get3A_492 = tpu.vector_load %arg12[%get3A_490, %get3A_491] {strides = array<i32>} : memref<512x64xf32, #tpu.memory_space<vmem>>, vector<16xf32>,
      %mul3A_493 = arith.mulf %get3A_489, %get3A_492 : vector<16xf32>
      %get3A_494 = arith.index_cast %add3A_486 : i32 to index
      %get3A_495 = arith.constant 16 : index
      %get3A_496 = tpu.vector_load %arg11[%get3A_494, %get3A_495] {strides = array<i32>} : memref<512x64xf32, #tpu.memory_space<vmem>>, vector<16xf32>,
      %get3A_497 = arith.index_cast %add3A_486 : i32 to index
      %get3A_498 = arith.constant 16 : index
      %get3A_499 = tpu.vector_load %arg12[%get3A_497, %get3A_498] {strides = array<i32>} : memref<512x64xf32, #tpu.memory_space<vmem>>, vector<16xf32>,
      %mul3A_500 = arith.mulf %get3A_496, %get3A_499 : vector<16xf32>
      %add3A_501 = arith.addf %mul3A_493, %mul3A_500 : vector<16xf32>
      %get3A_502 = arith.index_cast %add3A_486 : i32 to index
      %get3A_503 = arith.constant 32 : index
      %get3A_504 = tpu.vector_load %arg11[%get3A_502, %get3A_503] {strides = array<i32>} : memref<512x64xf32, #tpu.memory_space<vmem>>, vector<16xf32>,
      %get3A_505 = arith.index_cast %add3A_486 : i32 to index
      %get3A_506 = arith.constant 32 : index
      %get3A_507 = tpu.vector_load %arg12[%get3A_505, %get3A_506] {strides = array<i32>} : memref<512x64xf32, #tpu.memory_space<vmem>>, vector<16xf32>,
      %mul3A_508 = arith.mulf %get3A_504, %get3A_507 : vector<16xf32>
      %add3A_509 = arith.addf %add3A_501, %mul3A_508 : vector<16xf32>
      %get3A_510 = arith.index_cast %add3A_486 : i32 to index
      %get3A_511 = arith.constant 48 : index
      %get3A_512 = tpu.vector_load %arg11[%get3A_510, %get3A_511] {strides = array<i32>} : memref<512x64xf32, #tpu.memory_space<vmem>>, vector<16xf32>,
      %get3A_513 = arith.index_cast %add3A_486 : i32 to index
      %get3A_514 = arith.constant 48 : index
      %get3A_515 = tpu.vector_load %arg12[%get3A_513, %get3A_514] {strides = array<i32>} : memref<512x64xf32, #tpu.memory_space<vmem>>, vector<16xf32>,
      %mul3A_516 = arith.mulf %get3A_512, %get3A_515 : vector<16xf32>
      %add3A_517 = arith.addf %add3A_509, %mul3A_516 : vector<16xf32>
      %swap3A_518 = arith.constant 208 : index
      %swap3A_519 = tpu.vector_load %arg15[%swap3A_518] {strides = array<i32>} : memref<256xf32, #tpu.memory_space<vmem>>, vector<16xf32>,
      tpu.vector_store %arg15[%swap3A_518], %add3A_517 {strides = array<i32>} : memref<256xf32, #tpu.memory_space<vmem>>, vector<16xf32>,
      %add3A_520 = arith.constant 14 : i32
      %add3A_521 = arith.addi %mul3A_31, %add3A_520 : i32
      %get3A_522 = arith.index_cast %add3A_521 : i32 to index
      %get3A_523 = arith.constant 0 : index
      %get3A_524 = tpu.vector_load %arg11[%get3A_522, %get3A_523] {strides = array<i32>} : memref<512x64xf32, #tpu.memory_space<vmem>>, vector<16xf32>,
      %get3A_525 = arith.index_cast %add3A_521 : i32 to index
      %get3A_526 = arith.constant 0 : index
      %get3A_527 = tpu.vector_load %arg12[%get3A_525, %get3A_526] {strides = array<i32>} : memref<512x64xf32, #tpu.memory_space<vmem>>, vector<16xf32>,
      %mul3A_528 = arith.mulf %get3A_524, %get3A_527 : vector<16xf32>
      %get3A_529 = arith.index_cast %add3A_521 : i32 to index
      %get3A_530 = arith.constant 16 : index
      %get3A_531 = tpu.vector_load %arg11[%get3A_529, %get3A_530] {strides = array<i32>} : memref<512x64xf32, #tpu.memory_space<vmem>>, vector<16xf32>,
      %get3A_532 = arith.index_cast %add3A_521 : i32 to index
      %get3A_533 = arith.constant 16 : index
      %get3A_534 = tpu.vector_load %arg12[%get3A_532, %get3A_533] {strides = array<i32>} : memref<512x64xf32, #tpu.memory_space<vmem>>, vector<16xf32>,
      %mul3A_535 = arith.mulf %get3A_531, %get3A_534 : vector<16xf32>
      %add3A_536 = arith.addf %mul3A_528, %mul3A_535 : vector<16xf32>
      %get3A_537 = arith.index_cast %add3A_521 : i32 to index
      %get3A_538 = arith.constant 32 : index
      %get3A_539 = tpu.vector_load %arg11[%get3A_537, %get3A_538] {strides = array<i32>} : memref<512x64xf32, #tpu.memory_space<vmem>>, vector<16xf32>,
      %get3A_540 = arith.index_cast %add3A_521 : i32 to index
      %get3A_541 = arith.constant 32 : index
      %get3A_542 = tpu.vector_load %arg12[%get3A_540, %get3A_541] {strides = array<i32>} : memref<512x64xf32, #tpu.memory_space<vmem>>, vector<16xf32>,
      %mul3A_543 = arith.mulf %get3A_539, %get3A_542 : vector<16xf32>
      %add3A_544 = arith.addf %add3A_536, %mul3A_543 : vector<16xf32>
      %get3A_545 = arith.index_cast %add3A_521 : i32 to index
      %get3A_546 = arith.constant 48 : index
      %get3A_547 = tpu.vector_load %arg11[%get3A_545, %get3A_546] {strides = array<i32>} : memref<512x64xf32, #tpu.memory_space<vmem>>, vector<16xf32>,
      %get3A_548 = arith.index_cast %add3A_521 : i32 to index
      %get3A_549 = arith.constant 48 : index
      %get3A_550 = tpu.vector_load %arg12[%get3A_548, %get3A_549] {strides = array<i32>} : memref<512x64xf32, #tpu.memory_space<vmem>>, vector<16xf32>,
      %mul3A_551 = arith.mulf %get3A_547, %get3A_550 : vector<16xf32>
      %add3A_552 = arith.addf %add3A_544, %mul3A_551 : vector<16xf32>
      %swap3A_553 = arith.constant 224 : index
      %swap3A_554 = tpu.vector_load %arg15[%swap3A_553] {strides = array<i32>} : memref<256xf32, #tpu.memory_space<vmem>>, vector<16xf32>,
      tpu.vector_store %arg15[%swap3A_553], %add3A_552 {strides = array<i32>} : memref<256xf32, #tpu.memory_space<vmem>>, vector<16xf32>,
      %add3A_555 = arith.constant 15 : i32
      %add3A_556 = arith.addi %mul3A_31, %add3A_555 : i32
      %get3A_557 = arith.index_cast %add3A_556 : i32 to index
      %get3A_558 = arith.constant 0 : index
      %get3A_559 = tpu.vector_load %arg11[%get3A_557, %get3A_558] {strides = array<i32>} : memref<512x64xf32, #tpu.memory_space<vmem>>, vector<16xf32>,
      %get3A_560 = arith.index_cast %add3A_556 : i32 to index
      %get3A_561 = arith.constant 0 : index
      %get3A_562 = tpu.vector_load %arg12[%get3A_560, %get3A_561] {strides = array<i32>} : memref<512x64xf32, #tpu.memory_space<vmem>>, vector<16xf32>,
      %mul3A_563 = arith.mulf %get3A_559, %get3A_562 : vector<16xf32>
      %get3A_564 = arith.index_cast %add3A_556 : i32 to index
      %get3A_565 = arith.constant 16 : index
      %get3A_566 = tpu.vector_load %arg11[%get3A_564, %get3A_565] {strides = array<i32>} : memref<512x64xf32, #tpu.memory_space<vmem>>, vector<16xf32>,
      %get3A_567 = arith.index_cast %add3A_556 : i32 to index
      %get3A_568 = arith.constant 16 : index
      %get3A_569 = tpu.vector_load %arg12[%get3A_567, %get3A_568] {strides = array<i32>} : memref<512x64xf32, #tpu.memory_space<vmem>>, vector<16xf32>,
      %mul3A_570 = arith.mulf %get3A_566, %get3A_569 : vector<16xf32>
      %add3A_571 = arith.addf %mul3A_563, %mul3A_570 : vector<16xf32>
      %get3A_572 = arith.index_cast %add3A_556 : i32 to index
      %get3A_573 = arith.constant 32 : index
      %get3A_574 = tpu.vector_load %arg11[%get3A_572, %get3A_573] {strides = array<i32>} : memref<512x64xf32, #tpu.memory_space<vmem>>, vector<16xf32>,
      %get3A_575 = arith.index_cast %add3A_556 : i32 to index
      %get3A_576 = arith.constant 32 : index
      %get3A_577 = tpu.vector_load %arg12[%get3A_575, %get3A_576] {strides = array<i32>} : memref<512x64xf32, #tpu.memory_space<vmem>>, vector<16xf32>,
      %mul3A_578 = arith.mulf %get3A_574, %get3A_577 : vector<16xf32>
      %add3A_579 = arith.addf %add3A_571, %mul3A_578 : vector<16xf32>
      %get3A_580 = arith.index_cast %add3A_556 : i32 to index
      %get3A_581 = arith.constant 48 : index
      %get3A_582 = tpu.vector_load %arg11[%get3A_580, %get3A_581] {strides = array<i32>} : memref<512x64xf32, #tpu.memory_space<vmem>>, vector<16xf32>,
      %get3A_583 = arith.index_cast %add3A_556 : i32 to index
      %get3A_584 = arith.constant 48 : index
      %get3A_585 = tpu.vector_load %arg12[%get3A_583, %get3A_584] {strides = array<i32>} : memref<512x64xf32, #tpu.memory_space<vmem>>, vector<16xf32>,
      %mul3A_586 = arith.mulf %get3A_582, %get3A_585 : vector<16xf32>
      %add3A_587 = arith.addf %add3A_579, %mul3A_586 : vector<16xf32>
      %swap3A_588 = arith.constant 240 : index
      %swap3A_589 = tpu.vector_load %arg15[%swap3A_588] {strides = array<i32>} : memref<256xf32, #tpu.memory_space<vmem>>, vector<16xf32>,
      tpu.vector_store %arg15[%swap3A_588], %add3A_587 {strides = array<i32>} : memref<256xf32, #tpu.memory_space<vmem>>, vector<16xf32>,
      %gather3A = tpu.vector_load_idx %arg15[%mul3A_23] : memref<256xf32, #tpu.memory_space<vmem>>[vector<16xi32>], vector<16xf32>,
      %add3A_590 = arith.constant 1 : i32
      %add3A_591 = vector.broadcast %add3A_590 : i32 to vector<16xi32>
      %add3A_592 = arith.addi %mul3A_23, %add3A_591 : vector<16xi32>
      %gather3A_593 = tpu.vector_load_idx %arg15[%add3A_592] : memref<256xf32, #tpu.memory_space<vmem>>[vector<16xi32>], vector<16xf32>,
      %add3A_594 = arith.addf %gather3A, %gather3A_593 : vector<16xf32>
      %add3A_595 = arith.constant 2 : i32
      %add3A_596 = vector.broadcast %add3A_595 : i32 to vector<16xi32>
      %add3A_597 = arith.addi %mul3A_23, %add3A_596 : vector<16xi32>
      %gather3A_598 = tpu.vector_load_idx %arg15[%add3A_597] : memref<256xf32, #tpu.memory_space<vmem>>[vector<16xi32>], vector<16xf32>,
      %add3A_599 = arith.addf %add3A_594, %gather3A_598 : vector<16xf32>
      %add3A_600 = arith.constant 3 : i32
      %add3A_601 = vector.broadcast %add3A_600 : i32 to vector<16xi32>
      %add3A_602 = arith.addi %mul3A_23, %add3A_601 : vector<16xi32>
      %gather3A_603 = tpu.vector_load_idx %arg15[%add3A_602] : memref<256xf32, #tpu.memory_space<vmem>>[vector<16xi32>], vector<16xf32>,
      %add3A_604 = arith.addf %add3A_599, %gather3A_603 : vector<16xf32>
      %add3A_605 = arith.constant 4 : i32
      %add3A_606 = vector.broadcast %add3A_605 : i32 to vector<16xi32>
      %add3A_607 = arith.addi %mul3A_23, %add3A_606 : vector<16xi32>
      %gather3A_608 = tpu.vector_load_idx %arg15[%add3A_607] : memref<256xf32, #tpu.memory_space<vmem>>[vector<16xi32>], vector<16xf32>,
      %add3A_609 = arith.addf %add3A_604, %gather3A_608 : vector<16xf32>
      %add3A_610 = arith.constant 5 : i32
      %add3A_611 = vector.broadcast %add3A_610 : i32 to vector<16xi32>
      %add3A_612 = arith.addi %mul3A_23, %add3A_611 : vector<16xi32>
      %gather3A_613 = tpu.vector_load_idx %arg15[%add3A_612] : memref<256xf32, #tpu.memory_space<vmem>>[vector<16xi32>], vector<16xf32>,
      %add3A_614 = arith.addf %add3A_609, %gather3A_613 : vector<16xf32>
      %add3A_615 = arith.constant 6 : i32
      %add3A_616 = vector.broadcast %add3A_615 : i32 to vector<16xi32>
      %add3A_617 = arith.addi %mul3A_23, %add3A_616 : vector<16xi32>
      %gather3A_618 = tpu.vector_load_idx %arg15[%add3A_617] : memref<256xf32, #tpu.memory_space<vmem>>[vector<16xi32>], vector<16xf32>,
      %add3A_619 = arith.addf %add3A_614, %gather3A_618 : vector<16xf32>
      %add3A_620 = arith.constant 7 : i32
      %add3A_621 = vector.broadcast %add3A_620 : i32 to vector<16xi32>
      %add3A_622 = arith.addi %mul3A_23, %add3A_621 : vector<16xi32>
      %gather3A_623 = tpu.vector_load_idx %arg15[%add3A_622] : memref<256xf32, #tpu.memory_space<vmem>>[vector<16xi32>], vector<16xf32>,
      %add3A_624 = arith.addf %add3A_619, %gather3A_623 : vector<16xf32>
      %add3A_625 = arith.constant 8 : i32
      %add3A_626 = vector.broadcast %add3A_625 : i32 to vector<16xi32>
      %add3A_627 = arith.addi %mul3A_23, %add3A_626 : vector<16xi32>
      %gather3A_628 = tpu.vector_load_idx %arg15[%add3A_627] : memref<256xf32, #tpu.memory_space<vmem>>[vector<16xi32>], vector<16xf32>,
      %add3A_629 = arith.addf %add3A_624, %gather3A_628 : vector<16xf32>
      %add3A_630 = arith.constant 9 : i32
      %add3A_631 = vector.broadcast %add3A_630 : i32 to vector<16xi32>
      %add3A_632 = arith.addi %mul3A_23, %add3A_631 : vector<16xi32>
      %gather3A_633 = tpu.vector_load_idx %arg15[%add3A_632] : memref<256xf32, #tpu.memory_space<vmem>>[vector<16xi32>], vector<16xf32>,
      %add3A_634 = arith.addf %add3A_629, %gather3A_633 : vector<16xf32>
      %add3A_635 = arith.constant 10 : i32
      %add3A_636 = vector.broadcast %add3A_635 : i32 to vector<16xi32>
      %add3A_637 = arith.addi %mul3A_23, %add3A_636 : vector<16xi32>
      %gather3A_638 = tpu.vector_load_idx %arg15[%add3A_637] : memref<256xf32, #tpu.memory_space<vmem>>[vector<16xi32>], vector<16xf32>,
      %add3A_639 = arith.addf %add3A_634, %gather3A_638 : vector<16xf32>
      %add3A_640 = arith.constant 11 : i32
      %add3A_641 = vector.broadcast %add3A_640 : i32 to vector<16xi32>
      %add3A_642 = arith.addi %mul3A_23, %add3A_641 : vector<16xi32>
      %gather3A_643 = tpu.vector_load_idx %arg15[%add3A_642] : memref<256xf32, #tpu.memory_space<vmem>>[vector<16xi32>], vector<16xf32>,
      %add3A_644 = arith.addf %add3A_639, %gather3A_643 : vector<16xf32>
      %add3A_645 = arith.constant 12 : i32
      %add3A_646 = vector.broadcast %add3A_645 : i32 to vector<16xi32>
      %add3A_647 = arith.addi %mul3A_23, %add3A_646 : vector<16xi32>
      %gather3A_648 = tpu.vector_load_idx %arg15[%add3A_647] : memref<256xf32, #tpu.memory_space<vmem>>[vector<16xi32>], vector<16xf32>,
      %add3A_649 = arith.addf %add3A_644, %gather3A_648 : vector<16xf32>
      %add3A_650 = arith.constant 13 : i32
      %add3A_651 = vector.broadcast %add3A_650 : i32 to vector<16xi32>
      %add3A_652 = arith.addi %mul3A_23, %add3A_651 : vector<16xi32>
      %gather3A_653 = tpu.vector_load_idx %arg15[%add3A_652] : memref<256xf32, #tpu.memory_space<vmem>>[vector<16xi32>], vector<16xf32>,
      %add3A_654 = arith.addf %add3A_649, %gather3A_653 : vector<16xf32>
      %add3A_655 = arith.constant 14 : i32
      %add3A_656 = vector.broadcast %add3A_655 : i32 to vector<16xi32>
      %add3A_657 = arith.addi %mul3A_23, %add3A_656 : vector<16xi32>
      %gather3A_658 = tpu.vector_load_idx %arg15[%add3A_657] : memref<256xf32, #tpu.memory_space<vmem>>[vector<16xi32>], vector<16xf32>,
      %add3A_659 = arith.addf %add3A_654, %gather3A_658 : vector<16xf32>
      %add3A_660 = arith.constant 15 : i32
      %add3A_661 = vector.broadcast %add3A_660 : i32 to vector<16xi32>
      %add3A_662 = arith.addi %mul3A_23, %add3A_661 : vector<16xi32>
      %gather3A_663 = tpu.vector_load_idx %arg15[%add3A_662] : memref<256xf32, #tpu.memory_space<vmem>>[vector<16xi32>], vector<16xf32>,
      %add3A_664 = arith.addf %add3A_659, %gather3A_663 : vector<16xf32>
      %get3A_665 = arith.index_cast %mul3A_31 : i32 to index
      %get3A_666 = tpu.vector_load %arg13[%get3A_665] {strides = array<i32>} : memref<512xf32, #tpu.memory_space<vmem>>, vector<16xf32>,
      %add3A_667 = arith.addf %add3A_664, %get3A_666 : vector<16xf32>
      %get3A_668 = arith.index_cast %mul3A_31 : i32 to index
      %get3A_669 = tpu.vector_load %arg14[%get3A_668] {strides = array<i32>} : memref<512xf32, #tpu.memory_space<vmem>>, vector<16xf32>,
      %add3A_670 = arith.addf %add3A_667, %get3A_669 : vector<16xf32>
      %swap3A_671 = arith.index_cast %mul3A_31 : i32 to index
      %swap3A_672 = tpu.vector_load %arg16[%swap3A_671] {strides = array<i32>} : memref<512xf32, #tpu.memory_space<vmem>>, vector<16xf32>,
      tpu.vector_store %arg16[%swap3A_671], %add3A_670 {strides = array<i32>} : memref<512xf32, #tpu.memory_space<vmem>>, vector<16xf32>,
    }
    %scan3A_28 = arith.constant 32 : i32
    "tpu.region"() ({
      %run_scoped3A = tpu.sem_alloc : memref<!tpu.dma_semaphore, #tpu.memory_space<semaphore_mem>>
      %dma_start3A_29 = tpu.memref_slice %arg8[%mul3A_2] : memref<16384xf32, #tpu.memory_space<hbm>> -> memref<512xf32, #tpu.memory_space<hbm>>
      %dma_start3A_30 = tpu.memref_slice %arg8[%mul3A_2] : memref<16384xf32, #tpu.memory_space<hbm>> -> memref<512xf32, #tpu.memory_space<hbm>>
      tpu.enqueue_dma source(%arg16 : memref<512xf32, #tpu.memory_space<vmem>>) target(%dma_start3A_30 : memref<512xf32, #tpu.memory_space<hbm>>) target_semaphore(%run_scoped3A : memref<!tpu.dma_semaphore, #tpu.memory_space<semaphore_mem>>)
      %dma_wait3A_31 = tpu.memref_slice %arg8[%mul3A_2] : memref<16384xf32, #tpu.memory_space<hbm>> -> memref<512xf32, #tpu.memory_space<hbm>>
      %dma_wait3A_32 = tpu.memref_slice %arg8[%mul3A_2] : memref<16384xf32, #tpu.memory_space<hbm>> -> memref<512xf32, #tpu.memory_space<hbm>>
      tpu.wait_dma2 semaphore(%run_scoped3A : memref<!tpu.dma_semaphore, #tpu.memory_space<semaphore_mem>>) src(%arg16 : memref<512xf32, #tpu.memory_space<vmem>>) dst(%dma_wait3A_32 : memref<512xf32, #tpu.memory_space<hbm>>)
      tpu.yield
    }) : () -> ()
    return
  }
}

</mosaic_0001>

<sc_bundles>
// kernel: kernel.3.cloned.1.call-start
scs
__scs_entry_jumppad:
0x0: {  	(pc) =	sbr.rel $0x88, $3  }
0x1: {  	(tag) =	ssettag $0x0;
	lr =	simm.s32 $0x1  }
0x2: {  	[smem:$0x3F9B] =	sst lr;
	_ =	strace $0xD0000000  }
0x3: {  	_ = 	snop  }
0x4: {  	_ = 	snop  }
0x5: {  	_ = 	snop  }
0x6: {  	_ = 	snop  }
0x7: {  	_ = 	snop  }
__scs_overlays_trampoline_lowered:
0x8: {  	[smem:$0x3FAA] =	sst s0  }
0x9: {  	[smem:$0x3FAB] =	sst s1  }
0xa: {  	[smem:$0x3FAC] =	sst s2  }
0xb: {  	[smem:$0x3FAD] =	sst s3  }
0xc: {  	[smem:$0x3FAE] =	sst s4  }
0xd: {  	[smem:$0x3FAF] =	sst s5  }
0xe: {  	[smem:$0x3FB0] =	sst s6  }
0xf: {  	[smem:$0x3FB1] =	sst s7  }
0x10: {  	[smem:$0x3FB2] =	sst s8  }
0x11: {  	[smem:$0x3FB3] =	sst s9;
	s0 =	simm.s32 @!p0 $0x0  }
0x12: {  	s1 =	sld [smem:$0x3F99];
	s0 =	simm.s32 @p0 $0x1  }
0x13: {  	[smem:$0x3FB4] =	sst s0;
	s0 =	simm.s32 @!p1 $0x0  }
0x14: {  	s2 =	sld [smem:$0x3F98];
	s0 =	simm.s32 @p1 $0x1  }
0x15: {  	[smem:$0x3FB5] =	sst s0;
	s0 =	simm.s32 @!p2 $0x0  }
0x16: {  	s3 =	sld [smem:$0x3FDB];
	s0 =	simm.s32 @p2 $0x1  }
0x17: {  	s4 =	simm.s32 $0x1BF5;
	[smem:$0x3FB7] =	sst s0  }
0x18: {  	s0 =	sld [smem:$0x3F9A];
	_ =	swait.ge [sflag:s4], $0x0  }
0x19: {  	s7 =	sld [smem:$0x3F9B]  }
0x1a: {  	s8 =	sadd.s32 $0xFFFFE003, lr  }
0x1b: {  	s9 =	sadd.s32 $0xFFFFFEF7, lr;
	s5 =	simm.s32 $0xFFFFFFFF;
	p2 =	slt.u32 s8, $0xFFFFF086  }
0x1c: {  	p1 =	slt.u32 s9, $0xF7A;
	s5 =	simm.s32 @!p2 $0x0  }
0x1d: {  	s5 =	simm.s32 @p1 $0x1;
	p0 =	seq.s32 s7, s2  }
0x1e: {  	s7 =	smul.u32 @!p0 $0xF7A, s2;
	p2 =	seq.s32 @!p0 s5, $0x0  }
0x1f: {  	s9 =	smul.u32 $0xF7A, s1;
	s8 =	simm.s32 @!p0 $0x1BF5;
	p2 =	por !p2, p0  }
0x20: {  	[sflag:s8] =	ssyncset.s32 @!p0 $0xFFFFF086;
	s6 =	sadd.s32 @!p0 s3, s7;
	s7 =	simm.s32 @!p0 $0x108  }
0x21: {  	s3 =	sadd.s32 s3, s9;
	s6 =	sadd.s32 @!p0 $0x88, s6;
	s7 =	simm.s32 @p2 $0x1082  }
0x22: {  	[simem:s7], [sflag:s8] =	dma.local @!p0 [hbm:s6], $0xF7A  }
0x23: {  	s9 =	sor.u32 $0xD0000000, s2;
	s6 =	simm.s32 $0x108;
	_ =	swait.ge @!p0 [sflag:s8], $0x0  }
0x24: {  	s3 =	sadd.s32 $0x88, s3;
	s6 =	simm.s32 @!p1 $0x1082;
	[sflag:s4] =	ssyncset.s32 $0xFFFFF086  }
0x25: {  	[simem:s6], [sflag:s4] =	dma.local [hbm:s3], $0xF7A  }
0x26: {  	[smem:$0x3F9B] =	sst s1;
	(tag) =	ssettag s2;
	_ =	strace s9  }
0x27: {  	s1 =	sld [smem:$0x3FAB]  }
0x28: {  	s2 =	sld [smem:$0x3FAC]  }
0x29: {  	s4 =	sld [smem:$0x3FAE]  }
0x2a: {  	p0 =	seq.s32 s5, $0x0;
	s5 =	sld [smem:$0x3FAF]  }
0x2b: {  	s6 =	sld [smem:$0x3FB0]  }
0x2c: {  	s7 =	sld [smem:$0x3FB1]  }
0x2d: {  	s3 =	simm.s32 $0x108;
	s8 =	sld [smem:$0x3FB2]  }
0x2e: {  	s3 =	simm.s32 @!p0 $0x1082;
	s9 =	sld [smem:$0x3FB3]  }
0x2f: {  	lr =	sadd.s32 s0, s3;
	s0 =	sld [smem:$0x3FAA]  }
0x30: {  	s3 =	sld [smem:$0x3FAD]  }
0x31: {  	[smem:$0x3FB6] =	sst s10  }
0x32: {  	s10 =	sld [smem:$0x3FB4];
	_ =	sdelay $0x3  }
0x33: {  	p0 =	seq.s32 s10, $0x1;
	s10 =	sld [smem:$0x3FB6];
	_ =	sdelay $0x3  }
0x34: {  	[smem:$0x3FB6] =	sst s10  }
0x35: {  	s10 =	sld [smem:$0x3FB5];
	_ =	sdelay $0x3  }
0x36: {  	p1 =	seq.s32 s10, $0x1;
	s10 =	sld [smem:$0x3FB6];
	_ =	sdelay $0x3  }
0x37: {  	[smem:$0x3FB6] =	sst s10  }
0x38: {  	s10 =	sld [smem:$0x3FB7]  }
0x39: {  	_ = 	snop;
	(pc) =	sbr.ind lr, $3  }
0x3a: {  	_ = 	snop  }
0x3b: {  	_ = 	snop  }
0x3c: {  	p2 =	seq.s32 s10, $0x1;
	s10 =	sld [smem:$0x3FB6]  }
0x3d: {  	_ =	shalt  }
0x3e: {  	_ =	shalt  }
0x3f: {  	_ =	shalt  }
0x40: {  	_ =	shalt  }
0x41: {  	_ =	shalt  }
0x42: {  	_ =	shalt  }
0x43: {  	_ =	shalt  }
0x44: {  	_ =	shalt  }
0x45: {  	_ =	shalt  }
0x46: {  	_ =	shalt  }
0x47: {  	_ =	shalt  }
0x48: {  	_ =	shalt  }
0x49: {  	_ =	shalt  }
0x4a: {  	_ =	shalt  }
0x4b: {  	_ =	shalt  }
0x4c: {  	_ =	shalt  }
0x4d: {  	_ =	shalt  }
0x4e: {  	_ =	shalt  }
0x4f: {  	_ =	shalt  }
0x50: {  	_ =	shalt  }
0x51: {  	_ =	shalt  }
0x52: {  	_ =	shalt  }
0x53: {  	_ =	shalt  }
0x54: {  	_ =	shalt  }
0x55: {  	_ =	shalt  }
0x56: {  	_ =	shalt  }
0x57: {  	_ =	shalt  }
0x58: {  	_ =	shalt  }
0x59: {  	_ =	shalt  }
0x5a: {  	_ =	shalt  }
0x5b: {  	_ =	shalt  }
0x5c: {  	_ =	shalt  }
0x5d: {  	_ =	shalt  }
0x5e: {  	_ =	shalt  }
0x5f: {  	_ =	shalt  }
0x60: {  	_ =	shalt  }
0x61: {  	_ =	shalt  }
0x62: {  	_ =	shalt  }
0x63: {  	_ =	shalt  }
0x64: {  	_ =	shalt  }
0x65: {  	_ =	shalt  }
0x66: {  	_ =	shalt  }
0x67: {  	_ =	shalt  }
0x68: {  	_ =	shalt  }
0x69: {  	_ =	shalt  }
0x6a: {  	_ =	shalt  }
0x6b: {  	_ =	shalt  }
0x6c: {  	_ =	shalt  }
0x6d: {  	_ =	shalt  }
0x6e: {  	_ =	shalt  }
0x6f: {  	_ =	shalt  }
0x70: {  	_ =	shalt  }
0x71: {  	_ =	shalt  }
0x72: {  	_ =	shalt  }
0x73: {  	_ =	shalt  }
0x74: {  	_ =	shalt  }
0x75: {  	_ =	shalt  }
0x76: {  	_ =	shalt  }
0x77: {  	_ =	shalt  }
0x78: {  	_ =	shalt  }
0x79: {  	_ =	shalt  }
0x7a: {  	_ =	shalt  }
0x7b: {  	_ =	shalt  }
0x7c: {  	_ =	shalt  }
0x7d: {  	_ =	shalt  }
0x7e: {  	_ =	shalt  }
0x7f: {  	_ =	shalt  }
0x80: {  	_ =	shalt  }
0x81: {  	_ =	shalt  }
0x82: {  	_ =	shalt  }
0x83: {  	_ =	shalt  }
0x84: {  	_ =	shalt  }
0x85: {  	_ =	shalt  }
0x86: {  	_ =	shalt  }
0x87: {  	_ =	shalt  }
.Lfunc_end0:
.L_simem_size_0:
called_computation_lowered:
.L_overlay_start_0:
0x88: {  	s2 =	sld [smem:$0x3FD9]  }
0x89: {  	s3 =	sld [smem:$0x3FFE];
	_ =	sdelay $0x1  }
0x8a: {  	s1 =	srdreg.scid  }
0x8b: {  	s0 =	sand.u32 $0x1, s1  }
0x8c: {  	s17 =	sshll.u32 s0, $0xA;
	s2 =	sadd.s32 s3, s2  }
0x8d: {  	s2 =	sadd.s32 s2, s17  }
0x8e: {  	[smem:$0x3FC2] =	sst s2  }
0x8f: {  	_ = 	snop  }
0x90: {  	s2 =	sld [smem:$0x3FC9]  }
0x91: {  	s18 =	sld [smem:$0x3FC8]  }
0x92: {  	s4 =	sld [smem:$0x3FD0];
	(tm) =	ssettm $0x1  }
0x93: {  	s5 =	sld [smem:$0x3FFB];
	_ =	sdelay $0x3  }
0x94: {  	_ =	strace s5  }
0x95: {  	s5 =	sld [smem:$0x3FFC];
	_ =	sdelay $0x3  }
0x96: {  	_ =	strace s5  }
0x97: {  	s5 =	sld [smem:$0x3FFD];
	_ =	sdelay $0x3  }
0x98: {  	_ =	strace s5  }
0x99: {  	_ =	strace $0x8FFFFFFF  }
0x9a: {  	s19 =	sld [smem:$0x3FDB];
	_ =	sdelay $0x1  }
0x9b: {  	s6 =	simm.s32 $_scs_section_size  }
0x9c: {  	s7 =	simm.s32 $_size__tile_overlayer_lowered;
	s8 =	simm.s32 $_tile_overlayer_lowered  }
0x9d: {  	s22 =	simm.s32 $0x1BFF;
	s21 =	sshll.u32 s8, $0x1;
	s5 =	sadd.s32 s6, s19  }
0x9e: {  	s9 =	simm.s32 $0x0;
	s20 =	sshll.u32 s7, $0x1;
	s7 =	sadd.s32 s21, s5  }
0x9f: {  	[timem:s9], [sflag:s22] =	dma.local [hbm:s7], s20  }
0xa0: {  	_ =	swait.ge [sflag:s22], s20  }
0xa1: {  	s6 =	ssub.s32 $0x0, s20;
	[sflag:s22] =	ssyncset.done $0x0  }
0xa2: {  	[sflag:s22] =	ssyncadd.s32 s6;
	_ =	sdelay $0x1  }
0xa3: {  	s23 =	simm.s32 $0x1B8B  }
0xa4: {  	_ =	swait.ge [sflag:s23], $0x1  }
0xa5: {  	[sflag:s23] =	ssyncset.done $0x0  }
0xa6: {  	s25 =	simm.s32 $0x1B8E;
	s24 =	sld [smem:$0x3FFE];
	[sflag:s23] =	ssyncadd.s32 $0xFFFFFFFF  }
0xa7: {  	s26 =	simm.s32 $execute0_lowered;
	[smem:$0x3FD2] =	sst s25  }
0xa8: {  	s7 =	sshll.u32 s26, $0x1;
	_ =	strace $0x80000046;
	[dreg:$0x1] =	wrdreg $0xFFFFFFFF  }
0xa9: {  	s28 =	simm.s32 $_size_execute0_lowered;
	s5 =	sadd.s32 s5, s7;
	[dreg:$0x0] =	wrdreg $0x0  }
0xaa: {  	s7 =	sshll.u32 s28, $0x1;
	[dreg:$0x2] =	wrdreg s5  }
0xab: {  	[dreg:$0x3] =	wrdreg s7  }
0xac: {  	[dreg:$0x4] =	wrdreg $0xC0  }
0xad: {  	_ =	task [dreg:s9], $0x5FFFF  }
0xae: {  	[dreg:$0x1] =	wrdreg $0xFFFFFFFF  }
0xaf: {  	[dreg:$0x0] =	wrdreg $0x60  }
0xb0: {  	[dreg:$0x2] =	wrdreg s2  }
0xb1: {  	[dreg:$0x3] =	wrdreg s18  }
0xb2: {  	[dreg:$0x4] =	wrdreg s24  }
0xb3: {  	[dreg:$0x5] =	wrdreg s4  }
0xb4: {  	[dreg:$0x6] =	wrdreg $0x9  }
0xb5: {  	_ =	task.clear_ibuf [dreg:s9], $0x7FFFF;
	_ =	strace $0x90000046  }
0xb6: {  	s29 =	simm.s32 $0x9;
	_ =	strace $0x80000048  }
0xb7: {  	_ =	swait.ge [sflag:s29], $0x1  }
0xb8: {  	[sflag:s29] =	ssyncadd.s32 $0xFFFFFFFF  }
0xb9: {  	_ =	strace $0x90000048  }
0xba: {  	_ =	sfence  }
0xbb: {  	s30 =	sld [smem:$0x0];
	_ =	sdelay $0x2  }
0xbc: {  	s31 =	sshll.u32 s1, $0xD;
	s1 =	sshrl.u32 s1, $0x2  }
0xbd: {  	s3 =	sand.u32 $0x4000, s31;
	s1 =	sadd.s32 s1, s30  }
0xbe: {  	s0 =	sor.u32 s3, s0;
	s1 =	sshll.u32 s1, $0x11  }
0xbf: {  	s0 =	sor.u32 s1, s0  }
0xc0: {  	s0 =	sadd.s32 $0x8F2B, s0  }
0xc1: {  	[sflag:s0] =	ssyncadd.remote.s32 $0x1  }
0xc2: {  	_ =	sfence.sel $0xFFFF  }
0xc3: {  	[dreg:$0x0] =	wrdreg $0xFFFFFFFF;
	(pc) =	sbr.abs _section_cstart, $3  }
0xc4: {  	[dreg:$0x1] =	wrdreg $0xFFFFFFFF  }
0xc5: {  	_ =	task.clear_ibuf [dreg:s9], $0x2FFFF;
	_ =	strace $0x9FFFFFFF  }
0xc6: {  	(tm) =	ssettm $0x7FFFFFFF  }
0xc7: {  	_ =	shalt  }
tec
execute0_lowered:
.L_overlay_start_1:
0x0: {  	(tag) =	ssettag $0x1  }
0x1: {  	s7 =	rddreg [dreg:$0x0]  }
0x2: {  	s8 =	rddreg [dreg:$0x1]  }
0x3: {  	s1 =	rddreg [dreg:$0x2]  }
0x4: {  	s9 =	rddreg [dreg:$0x3]  }
0x5: {  	s0 =	rddreg [dreg:$0x4];
	s2 =	simm.s32 $0x0;
	s6 =	srdreg.scid  }
0x6: {  	s3 =	stileid.u32;
	s14 =	simm.s32 $0x8400;
	s15 =	simm.s32 $0x10400  }
0x7: {  	v0 =	vlaneseq.u32;
	s16 =	simm.s32 $0x10600;
	s17 =	simm.s32 $0x1;
	s18 =	simm.s32 $0x10800  }
0x8: {  	s19 =	simm.s32 $0x10900;
	s20 =	simm.s32 $0x0;
	[smem:$0x7FF] =	sst s2;
	v0 =	vmul.u32 $0x10, v0  }
0x9: {  	s4 =	sadd.s32 $0x16E3600, s1;
	s5 =	sadd.s32 $0x1EA00, s1;
	s6 =	sand.u32 $0x1, s6  }
0xa: {  	s11 =	sshll.u32 s3, $0x7;
	_ =	strace $0x80000047;
	s10 =	ssub.s32 $0x2, s6;
	v1 =	vor.u32 $0x1, v0;
	v2 =	vor.u32 $0x2, v0;
	v3 =	vor.u32 $0x3, v0  }
0xb: {  	s12 =	sshll.u32 s6, $0x6;
	s6 =	sadd.s32 $0xF42400, s1;
	s13 =	sshrl.u32 s10, $0x1;
	v4 =	vor.u32 $0x4, v0;
	v5 =	vor.u32 $0x5, v0;
	v6 =	vor.u32 $0x6, v0  }
0xc: {  	s11 =	sor.u32 s12, s11;
	s12 =	simm.s32 $0x200;
	v7 =	vor.u32 $0x7, v0;
	v8 =	vor.u32 $0x8, v0;
	v9 =	vor.u32 $0x9, v0;
	s10 =	ssub.s32 s10, s13  }
0xd: {  	v10 =	vor.u32 $0xA, v0;
	v11 =	vor.u32 $0xB, v0;
	v12 =	vor.u32 $0xC, v0;
	s7 =	sadd.s32 s7, s11;
	s8 =	sadd.s32 s8, s11;
	s9 =	sadd.s32 s9, s11  }
0xe: {  	v13 =	vor.u32 $0xD, v0;
	v14 =	vor.u32 $0xE, v0;
	v15 =	vor.u32 $0xF, v0;
	s11 =	simm.s32 $0x2;
	s13 =	simm.s32 $0x400;
	s10 =	smax.u32 s10, $0x1  }
.LBB2_1:
0xf: {  	[tilespmem:s2], [sflag:$0x2] =	stream.linear.gather [hbm4b:s7+s2], $0x200, $0x38;
	[tilespmem:$0x10B00] =	vst v63  }
0x10: {  	_ =	swait.ge [sflag:s11], $0x200  }
0x11: {  	[sflag:s11] =	ssyncset.done $0x0  }
0x12: {  	[sflag:s11] =	ssyncadd.s32 $0xFFFFFE00  }
0x13: {  	[tilespmem:s12], [sflag:$0x2] =	stream.linear.gather [hbm4b:s8+s2], $0x200, $0x38;
	[tilespmem:$0x10B00] =	vst v63  }
0x14: {  	_ =	swait.ge [sflag:s11], $0x200  }
0x15: {  	[sflag:s11] =	ssyncset.done $0x0  }
0x16: {  	[sflag:s11] =	ssyncadd.s32 $0xFFFFFE00  }
0x17: {  	[tilespmem:s13], [sflag:$0x1] =	stream.indirect.gather [hbm4b:s4+s12], $0x40, s2, s12, $0xb8;
	[tilespmem:$0x10B00] =	vst v63  }
0x18: {  	_ = 	snop  }
0x19: {  	[tilespmem:s14], [sflag:$0x1] =	stream.indirect.gather [hbm4b:s6+s12], $0x40, s12, s12, $0xb8;
	[tilespmem:$0x10B00] =	vst v63  }
0x1a: {  	_ = 	snop  }
0x1b: {  	[tilespmem:s15], [sflag:$0x1] =	stream.indirect.gather [hbm4b:s5+s12], $0x1, s2, s12, $0xb8;
	[tilespmem:$0x10B00] =	vst v63  }
0x1c: {  	_ = 	snop  }
0x1d: {  	[tilespmem:s16], [sflag:$0x1] =	stream.indirect.gather [hbm4b:s1+s12], $0x1, s12, s12, $0xb8;
	[tilespmem:$0x10B00] =	vst v63  }
0x1e: {  	_ =	swait.ge [sflag:s17], $0x8000  }
0x1f: {  	[sflag:s17] =	ssyncset.done $0x0  }
0x20: {  	[sflag:s17] =	ssyncadd.s32 $0xFFFF8000  }
0x21: {  	_ =	swait.ge [sflag:s17], $0x8000  }
0x22: {  	[sflag:s17] =	ssyncset.done $0x0  }
0x23: {  	[sflag:s17] =	ssyncadd.s32 $0xFFFF8000  }
0x24: {  	_ =	swait.ge [sflag:s17], $0x200  }
0x25: {  	[sflag:s17] =	ssyncset.done $0x0  }
0x26: {  	[sflag:s17] =	ssyncadd.s32 $0xFFFFFE00  }
0x27: {  	_ =	swait.ge [sflag:s17], $0x200  }
0x28: {  	[sflag:s17] =	ssyncset.done $0x0  }
0x29: {  	s21 =	simm.s32 $0x600;
	[sflag:s17] =	ssyncadd.s32 $0xFFFFFE00  }
0x2a: {  	s22 =	simm.s32 $0x8600;
	v16 =	vld [tilespmem:s21+$0xFFFFFE00]  }
0x2b: {  	v17 =	vld [tilespmem:s22+$0xFFFFFE10]  }
0x2c: {  	v18 =	vld [tilespmem:s21+$0xFFFFFE10]  }
0x2d: {  	v19 =	vld [tilespmem:s22+$0xFFFFFE00]  }
0x2e: {  	v20 =	vld [tilespmem:s22+$0xFFFFFE20]  }
0x2f: {  	v21 =	vld [tilespmem:s21+$0xFFFFFE20]  }
0x30: {  	v22 =	vld [tilespmem:s22+$0xFFFFFE30]  }
0x31: {  	v23 =	vld [tilespmem:s21+$0xFFFFFE30]  }
0x32: {  	v17 =	vmul.f32 v17, v18;
	v16 =	vmul.f32 v19, v16;
	_ =	sdelay $0x1  }
0x33: {  	v16 =	vadd.f32 v17, v16;
	v17 =	vmul.f32 v20, v21;
	_ =	sdelay $0x1  }
0x34: {  	v16 =	vadd.f32 v17, v16;
	v17 =	vmul.f32 v22, v23;
	_ =	sdelay $0x1  }
0x35: {  	v16 =	vadd.f32 v17, v16;
	_ =	sdelay $0x1  }
0x36: {  	[tilespmem:$0x10800] =	vst v16  }
0x37: {  	v16 =	vld [tilespmem:s22+$0xFFFFFE50]  }
0x38: {  	v17 =	vld [tilespmem:s21+$0xFFFFFE40]  }
0x39: {  	v18 =	vld [tilespmem:s21+$0xFFFFFE50]  }
0x3a: {  	v19 =	vld [tilespmem:s22+$0xFFFFFE40]  }
0x3b: {  	v20 =	vld [tilespmem:s22+$0xFFFFFE60]  }
0x3c: {  	v60 =	vld [tilespmem:s21+$0xFFFFFE60]  }
0x3d: {  	v61 =	vld [tilespmem:s22+$0xFFFFFE70]  }
0x3e: {  	v62 =	vld [tilespmem:s21+$0xFFFFFE70]  }
0x3f: {  	v16 =	vmul.f32 v16, v18;
	v17 =	vmul.f32 v19, v17;
	_ =	sdelay $0x1  }
0x40: {  	v16 =	vadd.f32 v16, v17;
	v17 =	vmul.f32 v20, v60;
	_ =	sdelay $0x1  }
0x41: {  	v16 =	vadd.f32 v17, v16;
	v17 =	vmul.f32 v61, v62;
	_ =	sdelay $0x1  }
0x42: {  	v16 =	vadd.f32 v17, v16;
	_ =	sdelay $0x1  }
0x43: {  	[tilespmem:$0x10810] =	vst v16  }
0x44: {  	v16 =	vld [tilespmem:s21+$0xFFFFFE80]  }
0x45: {  	v17 =	vld [tilespmem:s22+$0xFFFFFE80]  }
0x46: {  	v18 =	vld [tilespmem:s22+$0xFFFFFE90]  }
0x47: {  	v19 =	vld [tilespmem:s21+$0xFFFFFE90]  }
0x48: {  	v20 =	vld [tilespmem:s22+$0xFFFFFEA0]  }
0x49: {  	v63 =	vld [tilespmem:s21+$0xFFFFFEA0]  }
0x4a: {  	v24 =	vld [tilespmem:s22+$0xFFFFFEB0]  }
0x4b: {  	v25 =	vld [tilespmem:s21+$0xFFFFFEB0]  }
0x4c: {  	v16 =	vmul.f32 v17, v16;
	v17 =	vmul.f32 v18, v19;
	_ =	sdelay $0x1  }
0x4d: {  	v16 =	vadd.f32 v17, v16;
	v17 =	vmul.f32 v20, v63;
	_ =	sdelay $0x1  }
0x4e: {  	v16 =	vadd.f32 v17, v16;
	v17 =	vmul.f32 v24, v25;
	_ =	sdelay $0x1  }
0x4f: {  	v16 =	vadd.f32 v17, v16;
	_ =	sdelay $0x1  }
0x50: {  	[tilespmem:$0x10820] =	vst v16  }
0x51: {  	v16 =	vld [tilespmem:s22+$0xFFFFFEC0]  }
0x52: {  	v17 =	vld [tilespmem:s21+$0xFFFFFEC0]  }
0x53: {  	v18 =	vld [tilespmem:s21+$0xFFFFFED0]  }
0x54: {  	v19 =	vld [tilespmem:s22+$0xFFFFFED0]  }
0x55: {  	v20 =	vld [tilespmem:s22+$0xFFFFFEE0]  }
0x56: {  	v26 =	vld [tilespmem:s21+$0xFFFFFEE0]  }
0x57: {  	v27 =	vld [tilespmem:s22+$0xFFFFFEF0]  }
0x58: {  	v28 =	vld [tilespmem:s21+$0xFFFFFEF0]  }
0x59: {  	v16 =	vmul.f32 v16, v17;
	v17 =	vmul.f32 v19, v18;
	_ =	sdelay $0x1  }
0x5a: {  	v16 =	vadd.f32 v17, v16;
	v17 =	vmul.f32 v20, v26;
	_ =	sdelay $0x1  }
0x5b: {  	v16 =	vadd.f32 v17, v16;
	v17 =	vmul.f32 v27, v28;
	_ =	sdelay $0x1  }
0x5c: {  	v16 =	vadd.f32 v17, v16;
	_ =	sdelay $0x1  }
0x5d: {  	[tilespmem:$0x10830] =	vst v16  }
0x5e: {  	v16 =	vld [tilespmem:s22+$0xFFFFFF10]  }
0x5f: {  	v17 =	vld [tilespmem:s21+$0xFFFFFF00]  }
0x60: {  	v18 =	vld [tilespmem:s22+$0xFFFFFF00]  }
0x61: {  	v19 =	vld [tilespmem:s21+$0xFFFFFF10]  }
0x62: {  	v20 =	vld [tilespmem:s22+$0xFFFFFF20]  }
0x63: {  	v29 =	vld [tilespmem:s21+$0xFFFFFF20]  }
0x64: {  	v30 =	vld [tilespmem:s22+$0xFFFFFF30]  }
0x65: {  	v31 =	vld [tilespmem:s21+$0xFFFFFF30]  }
0x66: {  	v17 =	vmul.f32 v18, v17;
	v16 =	vmul.f32 v16, v19;
	_ =	sdelay $0x1  }
0x67: {  	v16 =	vadd.f32 v16, v17;
	v17 =	vmul.f32 v20, v29;
	_ =	sdelay $0x1  }
0x68: {  	v16 =	vadd.f32 v17, v16;
	v17 =	vmul.f32 v30, v31;
	_ =	sdelay $0x1  }
0x69: {  	v16 =	vadd.f32 v17, v16;
	_ =	sdelay $0x1  }
0x6a: {  	[tilespmem:$0x10840] =	vst v16  }
0x6b: {  	v16 =	vld [tilespmem:s22+$0xFFFFFF50]  }
0x6c: {  	v17 =	vld [tilespmem:s21+$0xFFFFFF40]  }
0x6d: {  	v18 =	vld [tilespmem:s22+$0xFFFFFF40]  }
0x6e: {  	v19 =	vld [tilespmem:s21+$0xFFFFFF50]  }
0x6f: {  	v20 =	vld [tilespmem:s22+$0xFFFFFF60]  }
0x70: {  	v32 =	vld [tilespmem:s21+$0xFFFFFF60]  }
0x71: {  	v33 =	vld [tilespmem:s22+$0xFFFFFF70]  }
0x72: {  	v34 =	vld [tilespmem:s21+$0xFFFFFF70]  }
0x73: {  	v17 =	vmul.f32 v18, v17;
	v16 =	vmul.f32 v16, v19;
	_ =	sdelay $0x1  }
0x74: {  	v16 =	vadd.f32 v16, v17;
	v17 =	vmul.f32 v20, v32;
	_ =	sdelay $0x1  }
0x75: {  	v16 =	vadd.f32 v17, v16;
	v17 =	vmul.f32 v33, v34;
	_ =	sdelay $0x1  }
0x76: {  	v16 =	vadd.f32 v17, v16;
	_ =	sdelay $0x1  }
0x77: {  	[tilespmem:$0x10850] =	vst v16  }
0x78: {  	v16 =	vld [tilespmem:s22+$0xFFFFFF80]  }
0x79: {  	v17 =	vld [tilespmem:s22+$0xFFFFFF90]  }
0x7a: {  	v18 =	vld [tilespmem:s21+$0xFFFFFF90]  }
0x7b: {  	v19 =	vld [tilespmem:s21+$0xFFFFFF80]  }
0x7c: {  	v20 =	vld [tilespmem:s22+$0xFFFFFFA0]  }
0x7d: {  	v35 =	vld [tilespmem:s21+$0xFFFFFFA0]  }
0x7e: {  	v36 =	vld [tilespmem:s22+$0xFFFFFFB0]  }
0x7f: {  	v37 =	vld [tilespmem:s21+$0xFFFFFFB0]  }
0x80: {  	v17 =	vmul.f32 v17, v18;
	v16 =	vmul.f32 v16, v19;
	_ =	sdelay $0x1  }
0x81: {  	v16 =	vadd.f32 v17, v16;
	v17 =	vmul.f32 v20, v35;
	_ =	sdelay $0x1  }
0x82: {  	v16 =	vadd.f32 v17, v16;
	v17 =	vmul.f32 v36, v37;
	_ =	sdelay $0x1  }
0x83: {  	v16 =	vadd.f32 v17, v16;
	_ =	sdelay $0x1  }
0x84: {  	[tilespmem:$0x10860] =	vst v16  }
0x85: {  	v16 =	vld [tilespmem:s22+$0xFFFFFFD0]  }
0x86: {  	v17 =	vld [tilespmem:s22+$0xFFFFFFC0]  }
0x87: {  	v18 =	vld [tilespmem:s21+$0xFFFFFFC0]  }
0x88: {  	v19 =	vld [tilespmem:s21+$0xFFFFFFD0]  }
0x89: {  	v20 =	vld [tilespmem:s22+$0xFFFFFFE0]  }
0x8a: {  	v38 =	vld [tilespmem:s21+$0xFFFFFFE0]  }
0x8b: {  	v39 =	vld [tilespmem:s22+$0xFFFFFFF0]  }
0x8c: {  	v40 =	vld [tilespmem:s21+$0xFFFFFFF0]  }
0x8d: {  	v17 =	vmul.f32 v17, v18;
	v16 =	vmul.f32 v16, v19;
	_ =	sdelay $0x1  }
0x8e: {  	v16 =	vadd.f32 v16, v17;
	v17 =	vmul.f32 v20, v38;
	_ =	sdelay $0x1  }
0x8f: {  	v16 =	vadd.f32 v17, v16;
	v17 =	vmul.f32 v39, v40;
	_ =	sdelay $0x1  }
0x90: {  	v16 =	vadd.f32 v17, v16;
	_ =	sdelay $0x1  }
0x91: {  	[tilespmem:$0x10870] =	vst v16  }
0x92: {  	v16 =	vld [tilespmem:s22+$0x0]  }
0x93: {  	v17 =	vld [tilespmem:s22+$0x10]  }
0x94: {  	v18 =	vld [tilespmem:s21+$0x0]  }
0x95: {  	v19 =	vld [tilespmem:s21+$0x10]  }
0x96: {  	v20 =	vld [tilespmem:s22+$0x20]  }
0x97: {  	v41 =	vld [tilespmem:s21+$0x20]  }
0x98: {  	v42 =	vld [tilespmem:s22+$0x30]  }
0x99: {  	v43 =	vld [tilespmem:s21+$0x30]  }
0x9a: {  	v16 =	vmul.f32 v16, v18;
	v17 =	vmul.f32 v17, v19;
	_ =	sdelay $0x1  }
0x9b: {  	v16 =	vadd.f32 v17, v16;
	v17 =	vmul.f32 v20, v41;
	_ =	sdelay $0x1  }
0x9c: {  	v16 =	vadd.f32 v17, v16;
	v17 =	vmul.f32 v42, v43;
	_ =	sdelay $0x1  }
0x9d: {  	v16 =	vadd.f32 v17, v16;
	_ =	sdelay $0x1  }
0x9e: {  	[tilespmem:$0x10880] =	vst v16  }
0x9f: {  	v16 =	vld [tilespmem:s22+$0x40]  }
0xa0: {  	v17 =	vld [tilespmem:s22+$0x50]  }
0xa1: {  	v18 =	vld [tilespmem:s21+$0x40]  }
0xa2: {  	v19 =	vld [tilespmem:s21+$0x50]  }
0xa3: {  	v20 =	vld [tilespmem:s21+$0x60]  }
0xa4: {  	v44 =	vld [tilespmem:s22+$0x60]  }
0xa5: {  	v45 =	vld [tilespmem:s21+$0x70]  }
0xa6: {  	v46 =	vld [tilespmem:s22+$0x70]  }
0xa7: {  	v16 =	vmul.f32 v16, v18;
	v17 =	vmul.f32 v17, v19;
	_ =	sdelay $0x1  }
0xa8: {  	v16 =	vadd.f32 v17, v16;
	v17 =	vmul.f32 v44, v20;
	_ =	sdelay $0x1  }
0xa9: {  	v16 =	vadd.f32 v17, v16;
	v17 =	vmul.f32 v46, v45;
	_ =	sdelay $0x1  }
0xaa: {  	v16 =	vadd.f32 v17, v16;
	_ =	sdelay $0x1  }
0xab: {  	[tilespmem:$0x10890] =	vst v16  }
0xac: {  	v16 =	vld [tilespmem:s22+$0x80]  }
0xad: {  	v17 =	vld [tilespmem:s22+$0x90]  }
0xae: {  	v18 =	vld [tilespmem:s21+$0x80]  }
0xaf: {  	v19 =	vld [tilespmem:s21+$0x90]  }
0xb0: {  	v20 =	vld [tilespmem:s21+$0xA0]  }
0xb1: {  	v47 =	vld [tilespmem:s22+$0xA0]  }
0xb2: {  	v48 =	vld [tilespmem:s21+$0xB0]  }
0xb3: {  	v49 =	vld [tilespmem:s22+$0xB0]  }
0xb4: {  	v16 =	vmul.f32 v16, v18;
	v17 =	vmul.f32 v17, v19;
	_ =	sdelay $0x1  }
0xb5: {  	v16 =	vadd.f32 v17, v16;
	v17 =	vmul.f32 v47, v20;
	_ =	sdelay $0x1  }
0xb6: {  	v16 =	vadd.f32 v17, v16;
	v17 =	vmul.f32 v49, v48;
	_ =	sdelay $0x1  }
0xb7: {  	v16 =	vadd.f32 v17, v16;
	_ =	sdelay $0x1  }
0xb8: {  	[tilespmem:$0x108A0] =	vst v16  }
0xb9: {  	v16 =	vld [tilespmem:s22+$0xC0]  }
0xba: {  	v17 =	vld [tilespmem:s22+$0xD0]  }
0xbb: {  	v18 =	vld [tilespmem:s21+$0xC0]  }
0xbc: {  	v19 =	vld [tilespmem:s21+$0xD0]  }
0xbd: {  	v20 =	vld [tilespmem:s21+$0xE0]  }
0xbe: {  	v50 =	vld [tilespmem:s22+$0xE0]  }
0xbf: {  	v51 =	vld [tilespmem:s21+$0xF0]  }
0xc0: {  	v52 =	vld [tilespmem:s22+$0xF0]  }
0xc1: {  	v16 =	vmul.f32 v16, v18;
	v17 =	vmul.f32 v17, v19;
	_ =	sdelay $0x1  }
0xc2: {  	v16 =	vadd.f32 v17, v16;
	v17 =	vmul.f32 v50, v20;
	_ =	sdelay $0x1  }
0xc3: {  	v16 =	vadd.f32 v17, v16;
	v17 =	vmul.f32 v52, v51;
	_ =	sdelay $0x1  }
0xc4: {  	v16 =	vadd.f32 v17, v16;
	_ =	sdelay $0x1  }
0xc5: {  	[tilespmem:$0x108B0] =	vst v16  }
0xc6: {  	v16 =	vld [tilespmem:s22+$0x100]  }
0xc7: {  	v17 =	vld [tilespmem:s22+$0x110]  }
0xc8: {  	v18 =	vld [tilespmem:s21+$0x100]  }
0xc9: {  	v19 =	vld [tilespmem:s21+$0x110]  }
0xca: {  	v20 =	vld [tilespmem:s21+$0x120]  }
0xcb: {  	v53 =	vld [tilespmem:s22+$0x120]  }
0xcc: {  	v54 =	vld [tilespmem:s21+$0x130]  }
0xcd: {  	v55 =	vld [tilespmem:s22+$0x130]  }
0xce: {  	v16 =	vmul.f32 v16, v18;
	v17 =	vmul.f32 v17, v19;
	_ =	sdelay $0x1  }
0xcf: {  	v16 =	vadd.f32 v17, v16;
	v17 =	vmul.f32 v53, v20;
	_ =	sdelay $0x1  }
0xd0: {  	v16 =	vadd.f32 v17, v16;
	v17 =	vmul.f32 v55, v54;
	_ =	sdelay $0x1  }
0xd1: {  	v16 =	vadd.f32 v17, v16;
	_ =	sdelay $0x1  }
0xd2: {  	[tilespmem:$0x108C0] =	vst v16  }
0xd3: {  	v16 =	vld [tilespmem:s22+$0x140]  }
0xd4: {  	v17 =	vld [tilespmem:s22+$0x150]  }
0xd5: {  	v18 =	vld [tilespmem:s21+$0x140]  }
0xd6: {  	v19 =	vld [tilespmem:s21+$0x150]  }
0xd7: {  	v20 =	vld [tilespmem:s21+$0x160]  }
0xd8: {  	v56 =	vld [tilespmem:s22+$0x160]  }
0xd9: {  	v57 =	vld [tilespmem:s21+$0x170]  }
0xda: {  	v58 =	vld [tilespmem:s22+$0x170]  }
0xdb: {  	v16 =	vmul.f32 v16, v18;
	v17 =	vmul.f32 v17, v19;
	_ =	sdelay $0x1  }
0xdc: {  	v16 =	vadd.f32 v17, v16;
	v17 =	vmul.f32 v56, v20;
	_ =	sdelay $0x1  }
0xdd: {  	v16 =	vadd.f32 v17, v16;
	v17 =	vmul.f32 v58, v57;
	_ =	sdelay $0x1  }
0xde: {  	v16 =	vadd.f32 v17, v16;
	_ =	sdelay $0x1  }
0xdf: {  	[tilespmem:$0x108D0] =	vst v16  }
0xe0: {  	v16 =	vld [tilespmem:s22+$0x180]  }
0xe1: {  	v17 =	vld [tilespmem:s22+$0x190]  }
0xe2: {  	v18 =	vld [tilespmem:s21+$0x190]  }
0xe3: {  	v19 =	vld [tilespmem:s21+$0x180]  }
0xe4: {  	v20 =	vld [tilespmem:s21+$0x1A0]  }
0xe5: {  	v59 =	vld [tilespmem:s22+$0x1A0]  }
0xe6: {  	v60 =	vld [tilespmem:s21+$0x1B0]  }
0xe7: {  	v61 =	vld [tilespmem:s22+$0x1B0]  }
0xe8: {  	v17 =	vmul.f32 v17, v18;
	v16 =	vmul.f32 v16, v19;
	_ =	sdelay $0x1  }
0xe9: {  	v16 =	vadd.f32 v17, v16;
	v17 =	vmul.f32 v59, v20;
	_ =	sdelay $0x1  }
0xea: {  	v16 =	vadd.f32 v17, v16;
	v17 =	vmul.f32 v61, v60;
	_ =	sdelay $0x1  }
0xeb: {  	v16 =	vadd.f32 v17, v16;
	_ =	sdelay $0x1  }
0xec: {  	[tilespmem:$0x108E0] =	vst v16  }
0xed: {  	v16 =	vld [tilespmem:s21+$0x1C0]  }
0xee: {  	v17 =	vld [tilespmem:s22+$0x1C0]  }
0xef: {  	v18 =	vld [tilespmem:s22+$0x1D0]  }
0xf0: {  	v19 =	vld [tilespmem:s21+$0x1D0]  }
0xf1: {  	v20 =	vld [tilespmem:s21+$0x1E0]  }
0xf2: {  	v62 =	vld [tilespmem:s22+$0x1E0]  }
0xf3: {  	v63 =	vmul.f32 v17, v16;
	v16 =	vld [tilespmem:s21+$0x1F0]  }
0xf4: {  	v17 =	vld [tilespmem:s22+$0x1F0]  }
0xf5: {  	v18 =	vmul.f32 v18, v19;
	_ =	sdelay $0x1  }
0xf6: {  	s24 =	simm.s32 $0x40;
	s23 =	simm.s32 $0x0;
	v19 =	vmul.f32 v62, v20;
	v18 =	vadd.f32 v18, v63  }
.LBB2_2:
0xf7: {  	_ = 	snop  }
0xf8: {  	p0 =	sne.s32 s24, $0x7C0;
	s21 =	sadd.s32 $0x400, s21;
	s22 =	sadd.s32 $0x400, s22;
	v18 =	vadd.f32 v19, v18;
	v16 =	vmul.f32 v17, v16  }
0xf9: {  	s25 =	smov.u32 s24;
	s24 =	sadd.s32 $0x40, s24  }
0xfa: {  	v16 =	vadd.f32 v16, v18;
	_ =	sdelay $0x1  }
0xfb: {  	[tilespmem:$0x108F0] =	vst v16  }
0xfc: {  	v16 =	vld.idx.msk [tilespmem:v0+s18+$0x0], $0xffff  }
0xfd: {  	v17 =	vld.idx.msk [tilespmem:v1+s18+$0x0], $0xffff  }
0xfe: {  	v18 =	vld.idx.msk [tilespmem:v2+s18+$0x0], $0xffff  }
0xff: {  	v19 =	vld.idx.msk [tilespmem:v3+s18+$0x0], $0xffff  }
0x100: {  	v20 =	vld.idx.msk [tilespmem:v4+s18+$0x0], $0xffff  }
0x101: {  	v21 =	vld.idx.msk [tilespmem:v5+s18+$0x0], $0xffff  }
0x102: {  	v22 =	vld.idx.msk [tilespmem:v6+s18+$0x0], $0xffff  }
0x103: {  	v16 =	vadd.f32 v17, v16;
	v17 =	vld.idx.msk [tilespmem:v7+s18+$0x0], $0xffff  }
0x104: {  	v23 =	vld.idx.msk [tilespmem:v8+s18+$0x0], $0xffff  }
0x105: {  	v16 =	vadd.f32 v18, v16;
	v18 =	vld.idx.msk [tilespmem:v9+s18+$0x0], $0xffff  }
0x106: {  	v24 =	vld.idx.msk [tilespmem:v10+s18+$0x0], $0xffff  }
0x107: {  	v16 =	vadd.f32 v19, v16;
	v19 =	vld.idx.msk [tilespmem:v11+s18+$0x0], $0xffff  }
0x108: {  	v25 =	vld.idx.msk [tilespmem:v12+s18+$0x0], $0xffff  }
0x109: {  	v16 =	vadd.f32 v20, v16;
	v20 =	vld.idx.msk [tilespmem:v13+s18+$0x0], $0xffff  }
0x10a: {  	v26 =	vld.idx.msk [tilespmem:v14+s18+$0x0], $0xffff  }
0x10b: {  	s26 =	sshra.s32 s23, $0x2;
	s23 =	smov.u32 s25;
	v16 =	vadd.f32 v21, v16;
	v21 =	vld.idx.msk [tilespmem:v15+s18+$0x0], $0xffff  }
0x10c: {  	v27 =	vld [tilespmem:s26+$0x10400]  }
0x10d: {  	v16 =	vadd.f32 v22, v16;
	v22 =	vld [tilespmem:s26+$0x10600];
	_ =	sdelay $0x1  }
0x10e: {  	v16 =	vadd.f32 v17, v16;
	_ =	sdelay $0x1  }
0x10f: {  	v16 =	vadd.f32 v23, v16;
	_ =	sdelay $0x1  }
0x110: {  	v16 =	vadd.f32 v18, v16;
	_ =	sdelay $0x1  }
0x111: {  	v16 =	vadd.f32 v24, v16;
	_ =	sdelay $0x1  }
0x112: {  	v16 =	vadd.f32 v19, v16;
	_ =	sdelay $0x1  }
0x113: {  	v16 =	vadd.f32 v25, v16;
	_ =	sdelay $0x1  }
0x114: {  	v16 =	vadd.f32 v20, v16;
	_ =	sdelay $0x1  }
0x115: {  	v16 =	vadd.f32 v26, v16;
	_ =	sdelay $0x1  }
0x116: {  	v16 =	vadd.f32 v21, v16;
	_ =	sdelay $0x1  }
0x117: {  	v16 =	vadd.f32 v27, v16;
	_ =	sdelay $0x1  }
0x118: {  	v16 =	vadd.f32 v22, v16;
	_ =	sdelay $0x1  }
0x119: {  	[tilespmem:s26+$0x10900] =	vst v16  }
0x11a: {  	v16 =	vld [tilespmem:s21+$0xFFFFFE00]  }
0x11b: {  	v17 =	vld [tilespmem:s22+$0xFFFFFE10]  }
0x11c: {  	v18 =	vld [tilespmem:s21+$0xFFFFFE10]  }
0x11d: {  	v19 =	vld [tilespmem:s22+$0xFFFFFE00]  }
0x11e: {  	v20 =	vld [tilespmem:s22+$0xFFFFFE20]  }
0x11f: {  	v21 =	vld [tilespmem:s21+$0xFFFFFE20]  }
0x120: {  	v22 =	vld [tilespmem:s22+$0xFFFFFE30]  }
0x121: {  	v17 =	vmul.f32 v17, v18;
	v18 =	vld [tilespmem:s21+$0xFFFFFE30]  }
0x122: {  	v16 =	vmul.f32 v19, v16;
	_ =	sdelay $0x1  }
0x123: {  	v16 =	vadd.f32 v17, v16;
	v17 =	vmul.f32 v20, v21;
	_ =	sdelay $0x1  }
0x124: {  	v16 =	vadd.f32 v17, v16;
	v17 =	vmul.f32 v22, v18;
	_ =	sdelay $0x1  }
0x125: {  	v16 =	vadd.f32 v17, v16;
	_ =	sdelay $0x1  }
0x126: {  	[tilespmem:$0x10800] =	vst v16  }
0x127: {  	v16 =	vld [tilespmem:s22+$0xFFFFFE50]  }
0x128: {  	v17 =	vld [tilespmem:s21+$0xFFFFFE40]  }
0x129: {  	v18 =	vld [tilespmem:s21+$0xFFFFFE50]  }
0x12a: {  	v19 =	vld [tilespmem:s22+$0xFFFFFE40]  }
0x12b: {  	v20 =	vld [tilespmem:s22+$0xFFFFFE60]  }
0x12c: {  	v21 =	vld [tilespmem:s21+$0xFFFFFE60]  }
0x12d: {  	v22 =	vld [tilespmem:s22+$0xFFFFFE70]  }
0x12e: {  	v16 =	vmul.f32 v16, v18;
	v18 =	vld [tilespmem:s21+$0xFFFFFE70]  }
0x12f: {  	v17 =	vmul.f32 v19, v17;
	_ =	sdelay $0x1  }
0x130: {  	v16 =	vadd.f32 v16, v17;
	v17 =	vmul.f32 v20, v21;
	_ =	sdelay $0x1  }
0x131: {  	v16 =	vadd.f32 v17, v16;
	v17 =	vmul.f32 v22, v18;
	_ =	sdelay $0x1  }
0x132: {  	v16 =	vadd.f32 v17, v16;
	_ =	sdelay $0x1  }
0x133: {  	[tilespmem:$0x10810] =	vst v16  }
0x134: {  	v16 =	vld [tilespmem:s21+$0xFFFFFE80]  }
0x135: {  	v17 =	vld [tilespmem:s22+$0xFFFFFE80]  }
0x136: {  	v18 =	vld [tilespmem:s22+$0xFFFFFE90]  }
0x137: {  	v19 =	vld [tilespmem:s21+$0xFFFFFE90]  }
0x138: {  	v20 =	vld [tilespmem:s22+$0xFFFFFEA0]  }
0x139: {  	v21 =	vld [tilespmem:s21+$0xFFFFFEA0]  }
0x13a: {  	v16 =	vmul.f32 v17, v16;
	v17 =	vld [tilespmem:s22+$0xFFFFFEB0]  }
0x13b: {  	v22 =	vld [tilespmem:s21+$0xFFFFFEB0]  }
0x13c: {  	v18 =	vmul.f32 v18, v19;
	_ =	sdelay $0x1  }
0x13d: {  	v16 =	vadd.f32 v18, v16;
	v18 =	vmul.f32 v20, v21;
	_ =	sdelay $0x1  }
0x13e: {  	v16 =	vadd.f32 v18, v16;
	v17 =	vmul.f32 v17, v22;
	_ =	sdelay $0x1  }
0x13f: {  	v16 =	vadd.f32 v17, v16;
	_ =	sdelay $0x1  }
0x140: {  	[tilespmem:$0x10820] =	vst v16  }
0x141: {  	v16 =	vld [tilespmem:s22+$0xFFFFFEC0]  }
0x142: {  	v17 =	vld [tilespmem:s21+$0xFFFFFEC0]  }
0x143: {  	v18 =	vld [tilespmem:s21+$0xFFFFFED0]  }
0x144: {  	v19 =	vld [tilespmem:s22+$0xFFFFFED0]  }
0x145: {  	v20 =	vld [tilespmem:s22+$0xFFFFFEE0]  }
0x146: {  	v21 =	vld [tilespmem:s21+$0xFFFFFEE0]  }
0x147: {  	v16 =	vmul.f32 v16, v17;
	v17 =	vld [tilespmem:s22+$0xFFFFFEF0]  }
0x148: {  	v22 =	vld [tilespmem:s21+$0xFFFFFEF0]  }
0x149: {  	v18 =	vmul.f32 v19, v18;
	_ =	sdelay $0x1  }
0x14a: {  	v16 =	vadd.f32 v18, v16;
	v18 =	vmul.f32 v20, v21;
	_ =	sdelay $0x1  }
0x14b: {  	v16 =	vadd.f32 v18, v16;
	v17 =	vmul.f32 v17, v22;
	_ =	sdelay $0x1  }
0x14c: {  	v16 =	vadd.f32 v17, v16;
	_ =	sdelay $0x1  }
0x14d: {  	[tilespmem:$0x10830] =	vst v16  }
0x14e: {  	v16 =	vld [tilespmem:s22+$0xFFFFFF10]  }
0x14f: {  	v17 =	vld [tilespmem:s21+$0xFFFFFF00]  }
0x150: {  	v18 =	vld [tilespmem:s22+$0xFFFFFF00]  }
0x151: {  	v19 =	vld [tilespmem:s21+$0xFFFFFF10]  }
0x152: {  	v20 =	vld [tilespmem:s22+$0xFFFFFF20]  }
0x153: {  	v21 =	vld [tilespmem:s21+$0xFFFFFF20]  }
0x154: {  	v22 =	vld [tilespmem:s22+$0xFFFFFF30]  }
0x155: {  	v17 =	vmul.f32 v18, v17;
	v18 =	vld [tilespmem:s21+$0xFFFFFF30]  }
0x156: {  	v16 =	vmul.f32 v16, v19;
	_ =	sdelay $0x1  }
0x157: {  	v16 =	vadd.f32 v16, v17;
	v17 =	vmul.f32 v20, v21;
	_ =	sdelay $0x1  }
0x158: {  	v16 =	vadd.f32 v17, v16;
	v17 =	vmul.f32 v22, v18;
	_ =	sdelay $0x1  }
0x159: {  	v16 =	vadd.f32 v17, v16;
	_ =	sdelay $0x1  }
0x15a: {  	[tilespmem:$0x10840] =	vst v16  }
0x15b: {  	v16 =	vld [tilespmem:s22+$0xFFFFFF50]  }
0x15c: {  	v17 =	vld [tilespmem:s21+$0xFFFFFF40]  }
0x15d: {  	v18 =	vld [tilespmem:s22+$0xFFFFFF40]  }
0x15e: {  	v19 =	vld [tilespmem:s21+$0xFFFFFF50]  }
0x15f: {  	v20 =	vld [tilespmem:s22+$0xFFFFFF60]  }
0x160: {  	v21 =	vld [tilespmem:s21+$0xFFFFFF60]  }
0x161: {  	v22 =	vld [tilespmem:s22+$0xFFFFFF70]  }
0x162: {  	v17 =	vmul.f32 v18, v17;
	v18 =	vld [tilespmem:s21+$0xFFFFFF70]  }
0x163: {  	v16 =	vmul.f32 v16, v19;
	_ =	sdelay $0x1  }
0x164: {  	v16 =	vadd.f32 v16, v17;
	v17 =	vmul.f32 v20, v21;
	_ =	sdelay $0x1  }
0x165: {  	v16 =	vadd.f32 v17, v16;
	v17 =	vmul.f32 v22, v18;
	_ =	sdelay $0x1  }
0x166: {  	v16 =	vadd.f32 v17, v16;
	_ =	sdelay $0x1  }
0x167: {  	[tilespmem:$0x10850] =	vst v16  }
0x168: {  	v16 =	vld [tilespmem:s22+$0xFFFFFF80]  }
0x169: {  	v17 =	vld [tilespmem:s22+$0xFFFFFF90]  }
0x16a: {  	v18 =	vld [tilespmem:s21+$0xFFFFFF90]  }
0x16b: {  	v19 =	vld [tilespmem:s21+$0xFFFFFF80]  }
0x16c: {  	v20 =	vld [tilespmem:s22+$0xFFFFFFA0]  }
0x16d: {  	v21 =	vld [tilespmem:s21+$0xFFFFFFA0]  }
0x16e: {  	v22 =	vld [tilespmem:s22+$0xFFFFFFB0]  }
0x16f: {  	v17 =	vmul.f32 v17, v18;
	v18 =	vld [tilespmem:s21+$0xFFFFFFB0]  }
0x170: {  	v16 =	vmul.f32 v16, v19;
	_ =	sdelay $0x1  }
0x171: {  	v16 =	vadd.f32 v17, v16;
	v17 =	vmul.f32 v20, v21;
	_ =	sdelay $0x1  }
0x172: {  	v16 =	vadd.f32 v17, v16;
	v17 =	vmul.f32 v22, v18;
	_ =	sdelay $0x1  }
0x173: {  	v16 =	vadd.f32 v17, v16;
	_ =	sdelay $0x1  }
0x174: {  	[tilespmem:$0x10860] =	vst v16  }
0x175: {  	v16 =	vld [tilespmem:s22+$0xFFFFFFD0]  }
0x176: {  	v17 =	vld [tilespmem:s22+$0xFFFFFFC0]  }
0x177: {  	v18 =	vld [tilespmem:s21+$0xFFFFFFC0]  }
0x178: {  	v19 =	vld [tilespmem:s21+$0xFFFFFFD0]  }
0x179: {  	v20 =	vld [tilespmem:s22+$0xFFFFFFE0]  }
0x17a: {  	v21 =	vld [tilespmem:s21+$0xFFFFFFE0]  }
0x17b: {  	v22 =	vld [tilespmem:s22+$0xFFFFFFF0]  }
0x17c: {  	v17 =	vmul.f32 v17, v18;
	v18 =	vld [tilespmem:s21+$0xFFFFFFF0]  }
0x17d: {  	v16 =	vmul.f32 v16, v19;
	_ =	sdelay $0x1  }
0x17e: {  	v16 =	vadd.f32 v16, v17;
	v17 =	vmul.f32 v20, v21;
	_ =	sdelay $0x1  }
0x17f: {  	v16 =	vadd.f32 v17, v16;
	v17 =	vmul.f32 v22, v18;
	_ =	sdelay $0x1  }
0x180: {  	v16 =	vadd.f32 v17, v16;
	_ =	sdelay $0x1  }
0x181: {  	[tilespmem:$0x10870] =	vst v16  }
0x182: {  	v16 =	vld [tilespmem:s22+$0x0]  }
0x183: {  	v17 =	vld [tilespmem:s22+$0x10]  }
0x184: {  	v18 =	vld [tilespmem:s21+$0x0]  }
0x185: {  	v19 =	vld [tilespmem:s21+$0x10]  }
0x186: {  	v20 =	vld [tilespmem:s22+$0x20]  }
0x187: {  	v21 =	vld [tilespmem:s21+$0x20]  }
0x188: {  	v22 =	vld [tilespmem:s22+$0x30]  }
0x189: {  	v16 =	vmul.f32 v16, v18;
	v18 =	vld [tilespmem:s21+$0x30]  }
0x18a: {  	v17 =	vmul.f32 v17, v19;
	_ =	sdelay $0x1  }
0x18b: {  	v16 =	vadd.f32 v17, v16;
	v17 =	vmul.f32 v20, v21;
	_ =	sdelay $0x1  }
0x18c: {  	v16 =	vadd.f32 v17, v16;
	v17 =	vmul.f32 v22, v18;
	_ =	sdelay $0x1  }
0x18d: {  	v16 =	vadd.f32 v17, v16;
	_ =	sdelay $0x1  }
0x18e: {  	[tilespmem:$0x10880] =	vst v16  }
0x18f: {  	v16 =	vld [tilespmem:s22+$0x40]  }
0x190: {  	v17 =	vld [tilespmem:s22+$0x50]  }
0x191: {  	v18 =	vld [tilespmem:s21+$0x40]  }
0x192: {  	v19 =	vld [tilespmem:s21+$0x50]  }
0x193: {  	v20 =	vld [tilespmem:s21+$0x60]  }
0x194: {  	v21 =	vld [tilespmem:s22+$0x60]  }
0x195: {  	v22 =	vld [tilespmem:s21+$0x70]  }
0x196: {  	v16 =	vmul.f32 v16, v18;
	v18 =	vld [tilespmem:s22+$0x70]  }
0x197: {  	v17 =	vmul.f32 v17, v19;
	_ =	sdelay $0x1  }
0x198: {  	v16 =	vadd.f32 v17, v16;
	v17 =	vmul.f32 v21, v20;
	_ =	sdelay $0x1  }
0x199: {  	v16 =	vadd.f32 v17, v16;
	v17 =	vmul.f32 v18, v22;
	_ =	sdelay $0x1  }
0x19a: {  	v16 =	vadd.f32 v17, v16;
	_ =	sdelay $0x1  }
0x19b: {  	[tilespmem:$0x10890] =	vst v16  }
0x19c: {  	v16 =	vld [tilespmem:s22+$0x80]  }
0x19d: {  	v17 =	vld [tilespmem:s22+$0x90]  }
0x19e: {  	v18 =	vld [tilespmem:s21+$0x80]  }
0x19f: {  	v19 =	vld [tilespmem:s21+$0x90]  }
0x1a0: {  	v20 =	vld [tilespmem:s21+$0xA0]  }
0x1a1: {  	v21 =	vld [tilespmem:s22+$0xA0]  }
0x1a2: {  	v22 =	vld [tilespmem:s21+$0xB0]  }
0x1a3: {  	v16 =	vmul.f32 v16, v18;
	v18 =	vld [tilespmem:s22+$0xB0]  }
0x1a4: {  	v17 =	vmul.f32 v17, v19;
	_ =	sdelay $0x1  }
0x1a5: {  	v16 =	vadd.f32 v17, v16;
	v17 =	vmul.f32 v21, v20;
	_ =	sdelay $0x1  }
0x1a6: {  	v16 =	vadd.f32 v17, v16;
	v17 =	vmul.f32 v18, v22;
	_ =	sdelay $0x1  }
0x1a7: {  	v16 =	vadd.f32 v17, v16;
	_ =	sdelay $0x1  }
0x1a8: {  	[tilespmem:$0x108A0] =	vst v16  }
0x1a9: {  	v16 =	vld [tilespmem:s22+$0xC0]  }
0x1aa: {  	v17 =	vld [tilespmem:s22+$0xD0]  }
0x1ab: {  	v18 =	vld [tilespmem:s21+$0xC0]  }
0x1ac: {  	v19 =	vld [tilespmem:s21+$0xD0]  }
0x1ad: {  	v20 =	vld [tilespmem:s21+$0xE0]  }
0x1ae: {  	v21 =	vld [tilespmem:s22+$0xE0]  }
0x1af: {  	v22 =	vld [tilespmem:s21+$0xF0]  }
0x1b0: {  	v16 =	vmul.f32 v16, v18;
	v18 =	vld [tilespmem:s22+$0xF0]  }
0x1b1: {  	v17 =	vmul.f32 v17, v19;
	_ =	sdelay $0x1  }
0x1b2: {  	v16 =	vadd.f32 v17, v16;
	v17 =	vmul.f32 v21, v20;
	_ =	sdelay $0x1  }
0x1b3: {  	v16 =	vadd.f32 v17, v16;
	v17 =	vmul.f32 v18, v22;
	_ =	sdelay $0x1  }
0x1b4: {  	v16 =	vadd.f32 v17, v16;
	_ =	sdelay $0x1  }
0x1b5: {  	[tilespmem:$0x108B0] =	vst v16  }
0x1b6: {  	v16 =	vld [tilespmem:s22+$0x100]  }
0x1b7: {  	v17 =	vld [tilespmem:s22+$0x110]  }
0x1b8: {  	v18 =	vld [tilespmem:s21+$0x100]  }
0x1b9: {  	v19 =	vld [tilespmem:s21+$0x110]  }
0x1ba: {  	v20 =	vld [tilespmem:s21+$0x120]  }
0x1bb: {  	v21 =	vld [tilespmem:s22+$0x120]  }
0x1bc: {  	v22 =	vld [tilespmem:s21+$0x130]  }
0x1bd: {  	v16 =	vmul.f32 v16, v18;
	v18 =	vld [tilespmem:s22+$0x130]  }
0x1be: {  	v17 =	vmul.f32 v17, v19;
	_ =	sdelay $0x1  }
0x1bf: {  	v16 =	vadd.f32 v17, v16;
	v17 =	vmul.f32 v21, v20;
	_ =	sdelay $0x1  }
0x1c0: {  	v16 =	vadd.f32 v17, v16;
	v17 =	vmul.f32 v18, v22;
	_ =	sdelay $0x1  }
0x1c1: {  	v16 =	vadd.f32 v17, v16;
	_ =	sdelay $0x1  }
0x1c2: {  	[tilespmem:$0x108C0] =	vst v16  }
0x1c3: {  	v16 =	vld [tilespmem:s22+$0x140]  }
0x1c4: {  	v17 =	vld [tilespmem:s22+$0x150]  }
0x1c5: {  	v18 =	vld [tilespmem:s21+$0x140]  }
0x1c6: {  	v19 =	vld [tilespmem:s21+$0x150]  }
0x1c7: {  	v20 =	vld [tilespmem:s21+$0x160]  }
0x1c8: {  	v21 =	vld [tilespmem:s22+$0x160]  }
0x1c9: {  	v22 =	vld [tilespmem:s21+$0x170]  }
0x1ca: {  	v16 =	vmul.f32 v16, v18;
	v18 =	vld [tilespmem:s22+$0x170]  }
0x1cb: {  	v17 =	vmul.f32 v17, v19;
	_ =	sdelay $0x1  }
0x1cc: {  	v16 =	vadd.f32 v17, v16;
	v17 =	vmul.f32 v21, v20;
	_ =	sdelay $0x1  }
0x1cd: {  	v16 =	vadd.f32 v17, v16;
	v17 =	vmul.f32 v18, v22;
	_ =	sdelay $0x1  }
0x1ce: {  	v16 =	vadd.f32 v17, v16;
	_ =	sdelay $0x1  }
0x1cf: {  	[tilespmem:$0x108D0] =	vst v16  }
0x1d0: {  	v16 =	vld [tilespmem:s22+$0x180]  }
0x1d1: {  	v17 =	vld [tilespmem:s22+$0x190]  }
0x1d2: {  	v18 =	vld [tilespmem:s21+$0x190]  }
0x1d3: {  	v19 =	vld [tilespmem:s21+$0x180]  }
0x1d4: {  	v20 =	vld [tilespmem:s21+$0x1A0]  }
0x1d5: {  	v21 =	vld [tilespmem:s22+$0x1A0]  }
0x1d6: {  	v22 =	vld [tilespmem:s21+$0x1B0]  }
0x1d7: {  	v17 =	vmul.f32 v17, v18;
	v18 =	vld [tilespmem:s22+$0x1B0]  }
0x1d8: {  	v16 =	vmul.f32 v16, v19;
	_ =	sdelay $0x1  }
0x1d9: {  	v16 =	vadd.f32 v17, v16;
	v17 =	vmul.f32 v21, v20;
	_ =	sdelay $0x1  }
0x1da: {  	v16 =	vadd.f32 v17, v16;
	v17 =	vmul.f32 v18, v22;
	_ =	sdelay $0x1  }
0x1db: {  	v16 =	vadd.f32 v17, v16;
	_ =	sdelay $0x1  }
0x1dc: {  	[tilespmem:$0x108E0] =	vst v16  }
0x1dd: {  	v16 =	vld [tilespmem:s21+$0x1C0]  }
0x1de: {  	v17 =	vld [tilespmem:s22+$0x1C0]  }
0x1df: {  	v18 =	vld [tilespmem:s22+$0x1D0]  }
0x1e0: {  	v19 =	vld [tilespmem:s21+$0x1D0]  }
0x1e1: {  	v20 =	vld [tilespmem:s21+$0x1E0]  }
0x1e2: {  	v21 =	vld [tilespmem:s22+$0x1E0]  }
.Ltmp0:
0x1e3: {  	v22 =	vmul.f32 v17, v16;
	v16 =	vld [tilespmem:s21+$0x1F0];
	(pc) =	sbr.rel @p0 .LBB2_2-.Ltmp0, $3  }
0x1e4: {  	v17 =	vld [tilespmem:s22+$0x1F0]  }
0x1e5: {  	v18 =	vmul.f32 v18, v19;
	_ =	sdelay $0x1  }
0x1e6: {  	v18 =	vadd.f32 v18, v22;
	v19 =	vmul.f32 v21, v20  }
0x1e7: {  	_ = 	snop  }
0x1e8: {  	v18 =	vadd.f32 v19, v18;
	v16 =	vmul.f32 v17, v16;
	_ =	sdelay $0x1  }
0x1e9: {  	v16 =	vadd.f32 v16, v18;
	_ =	sdelay $0x1  }
0x1ea: {  	[tilespmem:$0x108F0] =	vst v16  }
0x1eb: {  	v16 =	vld.idx.msk [tilespmem:v0+s18+$0x0], $0xffff  }
0x1ec: {  	v17 =	vld.idx.msk [tilespmem:v1+s18+$0x0], $0xffff;
	_ =	sdelay $0x1  }
0x1ed: {  	v53 =	vld.idx.msk [tilespmem:v2+s18+$0x0], $0xffff;
	_ =	sdelay $0x1  }
0x1ee: {  	v54 =	vld.idx.msk [tilespmem:v3+s18+$0x0], $0xffff  }
0x1ef: {  	v16 =	vadd.f32 v17, v16  }
0x1f0: {  	v17 =	vld.idx.msk [tilespmem:v4+s18+$0x0], $0xffff  }
0x1f1: {  	v16 =	vadd.f32 v53, v16  }
0x1f2: {  	v55 =	vld.idx.msk [tilespmem:v5+s18+$0x0], $0xffff  }
0x1f3: {  	v16 =	vadd.f32 v54, v16  }
0x1f4: {  	v56 =	vld.idx.msk [tilespmem:v6+s18+$0x0], $0xffff  }
0x1f5: {  	v16 =	vadd.f32 v17, v16  }
0x1f6: {  	v17 =	vld.idx.msk [tilespmem:v7+s18+$0x0], $0xffff  }
0x1f7: {  	v16 =	vadd.f32 v55, v16  }
0x1f8: {  	v57 =	vld.idx.msk [tilespmem:v8+s18+$0x0], $0xffff  }
0x1f9: {  	v16 =	vadd.f32 v56, v16  }
0x1fa: {  	v58 =	vld.idx.msk [tilespmem:v9+s18+$0x0], $0xffff  }
0x1fb: {  	v16 =	vadd.f32 v17, v16  }
0x1fc: {  	v17 =	vld.idx.msk [tilespmem:v10+s18+$0x0], $0xffff  }
0x1fd: {  	v16 =	vadd.f32 v57, v16  }
0x1fe: {  	v59 =	vld.idx.msk [tilespmem:v11+s18+$0x0], $0xffff  }
0x1ff: {  	v16 =	vadd.f32 v58, v16  }
0x200: {  	v60 =	vld.idx.msk [tilespmem:v12+s18+$0x0], $0xffff  }
0x201: {  	v16 =	vadd.f32 v17, v16  }
0x202: {  	v17 =	vld.idx.msk [tilespmem:v13+s18+$0x0], $0xffff  }
0x203: {  	v16 =	vadd.f32 v59, v16  }
0x204: {  	v61 =	vld.idx.msk [tilespmem:v14+s18+$0x0], $0xffff  }
0x205: {  	v16 =	vadd.f32 v60, v16  }
0x206: {  	v62 =	vld.idx.msk [tilespmem:v15+s18+$0x0], $0xffff  }
0x207: {  	s21 =	sshra.s32 s23, $0x2;
	v16 =	vadd.f32 v17, v16  }
0x208: {  	v17 =	vld [tilespmem:s21+$0x10400]  }
0x209: {  	v16 =	vadd.f32 v61, v16  }
0x20a: {  	v63 =	vld [tilespmem:s21+$0x10600]  }
0x20b: {  	v16 =	vadd.f32 v62, v16;
	_ =	sdelay $0x1  }
0x20c: {  	v16 =	vadd.f32 v17, v16;
	_ =	sdelay $0x1  }
0x20d: {  	s20 =	sadd.s32 $0x1, s20;
	v16 =	vadd.f32 v63, v16  }
0x20e: {  	p0 =	sne.s32 s20, s10  }
.Ltmp1:
0x20f: {  	[tilespmem:s21+$0x10900] =	vst v16;
	(pc) =	sbr.rel @p0 .LBB2_1-.Ltmp1, $4  }
0x210: {  	[hbm4b:s9+s2] =	stream.linear.scatter [tilespmem:s19], [sflag:$0x2], $0x200, $0x38;
	[tilespmem:$0x10B00] =	vst v63  }
0x211: {  	_ =	swait.ge [sflag:s11], $0x200  }
0x212: {  	[sflag:s11] =	ssyncset.done $0x0  }
0x213: {  	[sflag:s11] =	ssyncadd.s32 $0xFFFFFE00  }
0x214: {  	_ =	sfence.sel $0x180000  }
0x215: {  	[bflag:$0x0] =	sbarrier.arrive $0xFFFF  }
0x216: {  	p0 =	sne.s32 s3, $0x0;
	_ =	strace $0x90000047  }
0x217: {  	s0 =	sadd.s32 @!p0 $0x100000, s0;
	[bflag:$0x2] =	sbarrier.arrive $0xFFFF  }
0x218: {  	[sflag:s0] =	ssyncadd.tile.s32 @!p0 $0x1;
	_ =	shalt  }
.Lfunc_end2:
_tile_overlayer_lowered:
.L_overlay_start_2:
0x219: {  	(tag) =	ssettag $0x2  }
0x21a: {  	s0 =	rddreg [dreg:$0x0];
	s2 =	stileid.u32  }
0x21b: {  	s1 =	rddreg [dreg:$0x1];
	p0 =	sne.s32 s2, $0x0  }
0x21c: {  	s3 =	rddreg [dreg:$0x2];
	[bflag:$0x3] =	sbarrier.arrive $0xFFFF;
	s2 =	simm.s32 @!p0 $0x1C02  }
0x21d: {  	[timem:s3], [sflag:s2] =	dma.local @!p0 [hbm:s0], s1  }
0x21e: {  	s0 =	simm.s32 @!p0 $0x2  }
0x21f: {  	_ =	swait.ge @!p0 [sflag:s0], s1  }
0x220: {  	s1 =	ssub.s32 @!p0 $0x0, s1;
	[sflag:s0] =	ssyncset.done @!p0 $0x0  }
0x221: {  	[sflag:s0] =	ssyncadd.s32 @!p0 s1  }
0x222: {  	[bflag:$0x3] =	sbarrier.arrive $0xFFFF  }
0x223: {  	_ =	shalt  }

</sc_bundles>
